<compile_context>
chip_gen: v7x
topology: tpu7x:2x2x1
jax: 0.10.2.dev20260603
libtpu: 0.0.44.dev20260713+nightly
codegen_flags: <defaults>
</compile_context>

<pallas_src>
import functools

import jax
import jax.numpy as jnp
from jax import lax
from jax.experimental import pallas as pl
from jax.experimental.pallas import tpu as pltpu
from jax.experimental.pallas import tpu_sc as plsc

M = 300
NUM_CLASSES = 80
BOX_DIM = 4
OUT_W = NUM_CLASSES * BOX_DIM
STRIPE = 24
FULL_WORKERS = M // STRIPE
CLAMP_BASE = M - BOX_DIM - STRIPE
TAIL4_BASE = M - BOX_DIM
LANES = 16
CHUNKS = OUT_W // LANES
NUM_LABELS = 8


def _sc_body(w_hbm, labels_hbm, out_w_hbm,
             labels_v, mask_tab, w_v, out_w_v,
             sem_lab, sem_w, sem_out):
    wid = lax.axis_index("s")
    iota = lax.broadcasted_iota(jnp.int32, (LANES,), 0)
    iota4 = iota & 3
    zeros = jnp.zeros((LANES,), jnp.float32)
    ones = jnp.ones((LANES,), jnp.float32)

    lab_cp = pltpu.async_copy(labels_hbm, labels_v, sem_lab)

    base24 = jnp.minimum(wid * STRIPE, CLAMP_BASE)

    @pl.when(wid <= FULL_WORKERS)
    def _():
        pltpu.async_copy(w_hbm.at[pl.ds(base24, STRIPE)], w_v, sem_w)

    @pl.when(wid == FULL_WORKERS + 1)
    def _():
        pltpu.async_copy(w_hbm.at[pl.ds(TAIL4_BASE, 4)],
                         w_v.at[pl.ds(0, 4)], sem_w)

    for i in range(NUM_CLASSES // LANES):
        mask_tab[pl.ds(i * LANES, LANES)] = zeros
    lab_cp.wait()
    lab_vec = plsc.load_gather(labels_v, [iota & 7])
    plsc.store_scatter(mask_tab, [lab_vec], ones)

    def process(base, nrows):
        rows = pl.ds(0, nrows)
        pltpu.make_async_copy(w_hbm.at[pl.ds(base, nrows)],
                              w_v.at[rows], sem_w).wait()

        def row_body(r, carry):
            r16 = jnp.full((LANES,), r, jnp.int32)
            for v in range(CHUNKS):
                out_w_v[r, pl.ds(v * LANES, LANES)] = zeros
            rg16 = r16 + base
            r_eff16 = jnp.minimum(rg16, NUM_CLASSES - 1)
            w_row = plsc.load_gather(w_v, [r16, iota4])
            mval = plsc.load_gather(mask_tab, [r_eff16])
            col = r_eff16 * BOX_DIM + iota4
            lane_mask = (iota < BOX_DIM) & (rg16 < NUM_CLASSES)
            plsc.store_scatter(out_w_v, [r16, col], w_row * mval,
                               mask=lane_mask)
            return carry

        lax.fori_loop(0, nrows, row_body, 0)

        pltpu.async_copy(out_w_v.at[rows],
                         out_w_hbm.at[pl.ds(base, nrows)], sem_out).wait()

    @pl.when(wid <= FULL_WORKERS)
    def _():
        process(base24, STRIPE)

    @pl.when(wid == FULL_WORKERS + 1)
    def _():
        process(TAIL4_BASE, 4)


def _tc_body(labels_smem, t_ref, out_ref):
    col = lax.broadcasted_iota(jnp.int32, (1, OUT_W), 1)
    cls = col >> 2
    box = col & 3
    mask = cls == labels_smem[0]
    for k in range(1, NUM_LABELS):
        mask = mask | (cls == labels_smem[k])
    t = t_ref[...]
    tt = jnp.where(
        box == 0, t[:, 0:1],
        jnp.where(box == 1, t[:, 1:2],
                  jnp.where(box == 2, t[:, 2:3], t[:, 3:4])))
    out_ref[...] = jnp.where(mask, tt, jnp.float32(0.0))


@jax.jit
def kernel(bbox_targets, bbox_weights, labels):
    out_t = pl.pallas_call(
        _tc_body,
        out_shape=jax.ShapeDtypeStruct((M, OUT_W), jnp.float32),
        in_specs=[pl.BlockSpec(memory_space=pltpu.SMEM),
                  pl.BlockSpec(memory_space=pltpu.VMEM)],
        out_specs=pl.BlockSpec(memory_space=pltpu.VMEM),
    )(labels, bbox_targets)

    mesh = plsc.VectorSubcoreMesh(core_axis_name="c", subcore_axis_name="s",
                                  num_cores=1)
    out_w = pl.kernel(
        _sc_body,
        out_type=jax.ShapeDtypeStruct((M, OUT_W), jnp.float32),
        mesh=mesh,
        compiler_params=pltpu.CompilerParams(use_tc_tiling_on_sc=True,
                                             needs_layout_passes=False,
                                             skip_device_barrier=True),
        scratch_types=[
            pltpu.VMEM((NUM_LABELS,), jnp.int32),
            pltpu.VMEM((NUM_CLASSES,), jnp.float32),
            pltpu.VMEM((STRIPE, BOX_DIM), jnp.float32),
            pltpu.VMEM((STRIPE, OUT_W), jnp.float32),
            pltpu.SemaphoreType.DMA,
            pltpu.SemaphoreType.DMA,
            pltpu.SemaphoreType.DMA,
        ],
    )(bbox_weights, labels)
    return (out_t, out_w)

# --- scband reference (transcript-rebuilt; emitter-appended) ---
"""Pipeline reference for scband-bbox-target-expand-72499047956709 (READ-ONLY COPY).

The authoritative reference and input builder live on the scoring server;
editing this copy changes nothing except your own understanding.
"""

import jax, jax.numpy as jnp
import numpy as np

M = 300
NUM_CLASSES = 80
BOX_DIM = 4


def setup_inputs(seed: int = 0) -> dict:
    key = jax.random.key(seed)
    k1, k2, k3 = jax.random.split(key, 3)
    bbox_targets = jax.random.normal(k1, (M, BOX_DIM), dtype=jnp.float32)
    bbox_weights = jax.random.normal(k2, (M, BOX_DIM), dtype=jnp.float32)
    labels = jax.random.randint(k3, (8,), 0, NUM_CLASSES, dtype=jnp.int32)
    return {"bbox_targets": bbox_targets, "bbox_weights": bbox_weights, "labels": labels}


def reference(bbox_targets, bbox_weights, labels):
    num_labels = labels.shape[0]
    bbox_targets_expand = jnp.zeros((M, BOX_DIM * NUM_CLASSES), dtype=jnp.float32)
    bbox_weights_expand = jnp.zeros((M, BOX_DIM * NUM_CLASSES), dtype=jnp.float32)

    def body(k, carry):
        targets_expand, weights_expand = carry
        i = labels[k]
        start = i * BOX_DIM
        # scatter-overwrite: all rows copied into the class-i column block
        targets_expand = jax.lax.dynamic_update_slice(
            targets_expand, bbox_targets, (jnp.int32(0), start)
        )
        # scatter-overwrite: only row i of the weights
        row_i = jax.lax.dynamic_slice(bbox_weights, (i, jnp.int32(0)), (1, BOX_DIM))
        weights_expand = jax.lax.dynamic_update_slice(
            weights_expand, row_i, (i, start)
        )
        return targets_expand, weights_expand

    bbox_targets_expand, bbox_weights_expand = jax.lax.fori_loop(
        0, num_labels, body, (bbox_targets_expand, bbox_weights_expand)
    )
    return (bbox_targets_expand, bbox_weights_expand)

if __name__ == "__main__":
    import jax
    _d = setup_inputs()
    print(jax.jit(kernel)(*tuple(_d.values())))

</pallas_src>

<mosaic_0001>
#map = affine_map<(d0, d1) -> (0, 0)>
#map1 = affine_map<(d0, d1) -> (0)>
module attributes {stable_mosaic.version = 14 : i64} {
  func.func @_sc_body(%arg0: i32, %arg1: i32, %arg2: memref<300x4xf32, #tpu.memory_space<hbm>>, %arg3: memref<8xi32, #tpu.memory_space<hbm>>, %arg4: memref<300x320xf32, #tpu.memory_space<hbm>>, %arg5: memref<8xi32, #tpu.memory_space<vmem>>, %arg6: memref<80xf32, #tpu.memory_space<vmem>>, %arg7: memref<24x4xf32, #tpu.memory_space<vmem>>, %arg8: memref<24x320xf32, #tpu.memory_space<vmem>>, %arg9: memref<!tpu.dma_semaphore, #tpu.memory_space<semaphore_mem>>, %arg10: memref<!tpu.dma_semaphore, #tpu.memory_space<semaphore_mem>>, %arg11: memref<!tpu.dma_semaphore, #tpu.memory_space<semaphore_mem>>) attributes {dimension_semantics = [#tpu.dimension_semantics<core_parallel>, #tpu.dimension_semantics<subcore_parallel>], iteration_bounds = array<i64: 1, 16>, scalar_prefetch = 0 : i64, scratch_operands = 7 : i64, tpu.core_type = #tpu.core_type<sc_vector_subcore>, window_params = [{transform_indices = #map}, {transform_indices = #map1}, {transform_indices = #map}]} {
    %iota3A = tpu.iota {dimensions = array<i32: 0>} : vector<16xi32>
    %and3A = arith.constant 3 : i32
    %and3A_0 = vector.broadcast %and3A : i32 to vector<16xi32>
    %and3A_1 = arith.andi %iota3A, %and3A_0 : vector<16xi32>
    %broadcast_in_dim3A = arith.constant 0.000000e+00 : f32
    %broadcast_in_dim3A_2 = vector.broadcast %broadcast_in_dim3A : f32 to vector<16xf32>
    %broadcast_in_dim3A_3 = arith.constant 1.000000e+00 : f32
    %broadcast_in_dim3A_4 = vector.broadcast %broadcast_in_dim3A_3 : f32 to vector<16xf32>
    tpu.enqueue_dma source(%arg3 : memref<8xi32, #tpu.memory_space<hbm>>) target(%arg5 : memref<8xi32, #tpu.memory_space<vmem>>) target_semaphore(%arg9 : memref<!tpu.dma_semaphore, #tpu.memory_space<semaphore_mem>>)
    %mul3A = arith.constant 24 : i32
    %mul3A_5 = arith.muli %arg1, %mul3A : i32
    %min3A = arith.constant 272 : i32
    %min3A_6 = arith.minsi %mul3A_5, %min3A : i32
    %le3A = arith.constant 12 : i32
    %le3A_7 = arith.cmpi sle, %arg1, %le3A : i32
    %convert_element_type3A = arith.extui %le3A_7 : i1 to i32
    %cond3A = arith.constant 0 : i32
    %cond3A_8 = arith.cmpi ne, %convert_element_type3A, %cond3A : i32
    scf.if %cond3A_8 {
      %dma_start3A = arith.constant 0 : i32
      %dma_start3A_35 = tpu.memref_slice %arg2[%min3A_6, %dma_start3A] : memref<300x4xf32, #tpu.memory_space<hbm>> -> memref<24x4xf32, #tpu.memory_space<hbm>>
      %dma_start3A_36 = arith.constant 0 : i32
      %dma_start3A_37 = tpu.memref_slice %arg2[%min3A_6, %dma_start3A_36] : memref<300x4xf32, #tpu.memory_space<hbm>> -> memref<24x4xf32, #tpu.memory_space<hbm>>
      tpu.enqueue_dma source(%dma_start3A_37 : memref<24x4xf32, #tpu.memory_space<hbm>>) target(%arg7 : memref<24x4xf32, #tpu.memory_space<vmem>>) target_semaphore(%arg10 : memref<!tpu.dma_semaphore, #tpu.memory_space<semaphore_mem>>)
    } else {
    }
    %eq3A = arith.constant 13 : i32
    %eq3A_9 = arith.cmpi eq, %arg1, %eq3A : i32
    %convert_element_type3A_10 = arith.extui %eq3A_9 : i1 to i32
    %cond3A_11 = arith.constant 0 : i32
    %cond3A_12 = arith.cmpi ne, %convert_element_type3A_10, %cond3A_11 : i32
    scf.if %cond3A_12 {
      %dma_start3A = arith.constant 0 : i32
      %dma_start3A_35 = arith.constant 0 : i32
      %dma_start3A_36 = tpu.memref_slice %arg7[%dma_start3A, %dma_start3A_35] : memref<24x4xf32, #tpu.memory_space<vmem>> -> memref<4x4xf32, #tpu.memory_space<vmem>>
      %dma_start3A_37 = arith.constant 296 : i32
      %dma_start3A_38 = arith.constant 0 : i32
      %dma_start3A_39 = tpu.memref_slice %arg2[%dma_start3A_37, %dma_start3A_38] : memref<300x4xf32, #tpu.memory_space<hbm>> -> memref<4x4xf32, #tpu.memory_space<hbm>>
      %dma_start3A_40 = arith.constant 0 : i32
      %dma_start3A_41 = arith.constant 0 : i32
      %dma_start3A_42 = tpu.memref_slice %arg7[%dma_start3A_40, %dma_start3A_41] : memref<24x4xf32, #tpu.memory_space<vmem>> -> memref<4x4xf32, #tpu.memory_space<vmem>>
      %dma_start3A_43 = arith.constant 296 : i32
      %dma_start3A_44 = arith.constant 0 : i32
      %dma_start3A_45 = tpu.memref_slice %arg2[%dma_start3A_43, %dma_start3A_44] : memref<300x4xf32, #tpu.memory_space<hbm>> -> memref<4x4xf32, #tpu.memory_space<hbm>>
      tpu.enqueue_dma source(%dma_start3A_45 : memref<4x4xf32, #tpu.memory_space<hbm>>) target(%dma_start3A_42 : memref<4x4xf32, #tpu.memory_space<vmem>>) target_semaphore(%arg10 : memref<!tpu.dma_semaphore, #tpu.memory_space<semaphore_mem>>)
    } else {
    }
    %swap3A = arith.constant 0 : index
    %swap3A_13 = tpu.vector_load %arg6[%swap3A] {strides = array<i32>} : memref<80xf32, #tpu.memory_space<vmem>>, vector<16xf32>,
    tpu.vector_store %arg6[%swap3A], %broadcast_in_dim3A_2 {strides = array<i32>} : memref<80xf32, #tpu.memory_space<vmem>>, vector<16xf32>,
    %swap3A_14 = arith.constant 16 : index
    %swap3A_15 = tpu.vector_load %arg6[%swap3A_14] {strides = array<i32>} : memref<80xf32, #tpu.memory_space<vmem>>, vector<16xf32>,
    tpu.vector_store %arg6[%swap3A_14], %broadcast_in_dim3A_2 {strides = array<i32>} : memref<80xf32, #tpu.memory_space<vmem>>, vector<16xf32>,
    %swap3A_16 = arith.constant 32 : index
    %swap3A_17 = tpu.vector_load %arg6[%swap3A_16] {strides = array<i32>} : memref<80xf32, #tpu.memory_space<vmem>>, vector<16xf32>,
    tpu.vector_store %arg6[%swap3A_16], %broadcast_in_dim3A_2 {strides = array<i32>} : memref<80xf32, #tpu.memory_space<vmem>>, vector<16xf32>,
    %swap3A_18 = arith.constant 48 : index
    %swap3A_19 = tpu.vector_load %arg6[%swap3A_18] {strides = array<i32>} : memref<80xf32, #tpu.memory_space<vmem>>, vector<16xf32>,
    tpu.vector_store %arg6[%swap3A_18], %broadcast_in_dim3A_2 {strides = array<i32>} : memref<80xf32, #tpu.memory_space<vmem>>, vector<16xf32>,
    %swap3A_20 = arith.constant 64 : index
    %swap3A_21 = tpu.vector_load %arg6[%swap3A_20] {strides = array<i32>} : memref<80xf32, #tpu.memory_space<vmem>>, vector<16xf32>,
    tpu.vector_store %arg6[%swap3A_20], %broadcast_in_dim3A_2 {strides = array<i32>} : memref<80xf32, #tpu.memory_space<vmem>>, vector<16xf32>,
    tpu.wait_dma2 semaphore(%arg9 : memref<!tpu.dma_semaphore, #tpu.memory_space<semaphore_mem>>) src(%arg3 : memref<8xi32, #tpu.memory_space<hbm>>) dst(%arg5 : memref<8xi32, #tpu.memory_space<vmem>>)
    %and3A_22 = arith.constant 7 : i32
    %and3A_23 = vector.broadcast %and3A_22 : i32 to vector<16xi32>
    %and3A_24 = arith.andi %iota3A, %and3A_23 : vector<16xi32>
    %gather3A = tpu.vector_load_idx %arg5[%and3A_24] : memref<8xi32, #tpu.memory_space<vmem>>[vector<16xi32>], vector<16xi32>,
    tpu.vector_store_idx %arg6[%gather3A], %broadcast_in_dim3A_4 : memref<80xf32, #tpu.memory_space<vmem>>[vector<16xi32>], vector<16xf32>,
    %le3A_25 = arith.constant 12 : i32
    %le3A_26 = arith.cmpi sle, %arg1, %le3A_25 : i32
    %convert_element_type3A_27 = arith.extui %le3A_26 : i1 to i32
    %cond3A_28 = arith.constant 0 : i32
    %cond3A_29 = arith.cmpi ne, %convert_element_type3A_27, %cond3A_28 : i32
    scf.if %cond3A_29 {
      %dma_wait3A = arith.constant 0 : i32
      %dma_wait3A_35 = arith.constant 0 : i32
      %dma_wait3A_36 = tpu.memref_slice %arg7[%dma_wait3A, %dma_wait3A_35] : memref<24x4xf32, #tpu.memory_space<vmem>> -> memref<24x4xf32, #tpu.memory_space<vmem>>
      %dma_wait3A_37 = arith.constant 0 : i32
      %dma_wait3A_38 = tpu.memref_slice %arg2[%min3A_6, %dma_wait3A_37] : memref<300x4xf32, #tpu.memory_space<hbm>> -> memref<24x4xf32, #tpu.memory_space<hbm>>
      %dma_wait3A_39 = arith.constant 0 : i32
      %dma_wait3A_40 = arith.constant 0 : i32
      %dma_wait3A_41 = tpu.memref_slice %arg7[%dma_wait3A_39, %dma_wait3A_40] : memref<24x4xf32, #tpu.memory_space<vmem>> -> memref<24x4xf32, #tpu.memory_space<vmem>>
      %dma_wait3A_42 = arith.constant 0 : i32
      %dma_wait3A_43 = tpu.memref_slice %arg2[%min3A_6, %dma_wait3A_42] : memref<300x4xf32, #tpu.memory_space<hbm>> -> memref<24x4xf32, #tpu.memory_space<hbm>>
      tpu.wait_dma2 semaphore(%arg10 : memref<!tpu.dma_semaphore, #tpu.memory_space<semaphore_mem>>) src(%dma_wait3A_43 : memref<24x4xf32, #tpu.memory_space<hbm>>) dst(%dma_wait3A_41 : memref<24x4xf32, #tpu.memory_space<vmem>>)
      %scan3A = arith.constant 0 : i32
      %scan3A_44 = arith.constant 0 : i32
      %scan3A_45 = arith.constant 24 : i32
      %scan3A_46 = arith.addi %scan3A_44, %scan3A_45 : i32
      %scan3A_47 = arith.constant 1 : i32
      scf.for %scan3A_68 = %scan3A_44 to %scan3A_46 step %scan3A_47  : i32 {
        %broadcast_in_dim3A_69 = vector.broadcast %scan3A_68 : i32 to vector<16xi32>
        %swap3A_70 = arith.index_cast %scan3A_68 : i32 to index
        %swap3A_71 = arith.constant 0 : index
        %swap3A_72 = tpu.vector_load %arg8[%swap3A_70, %swap3A_71] {strides = array<i32>} : memref<24x320xf32, #tpu.memory_space<vmem>>, vector<16xf32>,
        tpu.vector_store %arg8[%swap3A_70, %swap3A_71], %broadcast_in_dim3A_2 {strides = array<i32>} : memref<24x320xf32, #tpu.memory_space<vmem>>, vector<16xf32>,
        %swap3A_73 = arith.index_cast %scan3A_68 : i32 to index
        %swap3A_74 = arith.constant 16 : index
        %swap3A_75 = tpu.vector_load %arg8[%swap3A_73, %swap3A_74] {strides = array<i32>} : memref<24x320xf32, #tpu.memory_space<vmem>>, vector<16xf32>,
        tpu.vector_store %arg8[%swap3A_73, %swap3A_74], %broadcast_in_dim3A_2 {strides = array<i32>} : memref<24x320xf32, #tpu.memory_space<vmem>>, vector<16xf32>,
        %swap3A_76 = arith.index_cast %scan3A_68 : i32 to index
        %swap3A_77 = arith.constant 32 : index
        %swap3A_78 = tpu.vector_load %arg8[%swap3A_76, %swap3A_77] {strides = array<i32>} : memref<24x320xf32, #tpu.memory_space<vmem>>, vector<16xf32>,
        tpu.vector_store %arg8[%swap3A_76, %swap3A_77], %broadcast_in_dim3A_2 {strides = array<i32>} : memref<24x320xf32, #tpu.memory_space<vmem>>, vector<16xf32>,
        %swap3A_79 = arith.index_cast %scan3A_68 : i32 to index
        %swap3A_80 = arith.constant 48 : index
        %swap3A_81 = tpu.vector_load %arg8[%swap3A_79, %swap3A_80] {strides = array<i32>} : memref<24x320xf32, #tpu.memory_space<vmem>>, vector<16xf32>,
        tpu.vector_store %arg8[%swap3A_79, %swap3A_80], %broadcast_in_dim3A_2 {strides = array<i32>} : memref<24x320xf32, #tpu.memory_space<vmem>>, vector<16xf32>,
        %swap3A_82 = arith.index_cast %scan3A_68 : i32 to index
        %swap3A_83 = arith.constant 64 : index
        %swap3A_84 = tpu.vector_load %arg8[%swap3A_82, %swap3A_83] {strides = array<i32>} : memref<24x320xf32, #tpu.memory_space<vmem>>, vector<16xf32>,
        tpu.vector_store %arg8[%swap3A_82, %swap3A_83], %broadcast_in_dim3A_2 {strides = array<i32>} : memref<24x320xf32, #tpu.memory_space<vmem>>, vector<16xf32>,
        %swap3A_85 = arith.index_cast %scan3A_68 : i32 to index
        %swap3A_86 = arith.constant 80 : index
        %swap3A_87 = tpu.vector_load %arg8[%swap3A_85, %swap3A_86] {strides = array<i32>} : memref<24x320xf32, #tpu.memory_space<vmem>>, vector<16xf32>,
        tpu.vector_store %arg8[%swap3A_85, %swap3A_86], %broadcast_in_dim3A_2 {strides = array<i32>} : memref<24x320xf32, #tpu.memory_space<vmem>>, vector<16xf32>,
        %swap3A_88 = arith.index_cast %scan3A_68 : i32 to index
        %swap3A_89 = arith.constant 96 : index
        %swap3A_90 = tpu.vector_load %arg8[%swap3A_88, %swap3A_89] {strides = array<i32>} : memref<24x320xf32, #tpu.memory_space<vmem>>, vector<16xf32>,
        tpu.vector_store %arg8[%swap3A_88, %swap3A_89], %broadcast_in_dim3A_2 {strides = array<i32>} : memref<24x320xf32, #tpu.memory_space<vmem>>, vector<16xf32>,
        %swap3A_91 = arith.index_cast %scan3A_68 : i32 to index
        %swap3A_92 = arith.constant 112 : index
        %swap3A_93 = tpu.vector_load %arg8[%swap3A_91, %swap3A_92] {strides = array<i32>} : memref<24x320xf32, #tpu.memory_space<vmem>>, vector<16xf32>,
        tpu.vector_store %arg8[%swap3A_91, %swap3A_92], %broadcast_in_dim3A_2 {strides = array<i32>} : memref<24x320xf32, #tpu.memory_space<vmem>>, vector<16xf32>,
        %swap3A_94 = arith.index_cast %scan3A_68 : i32 to index
        %swap3A_95 = arith.constant 128 : index
        %swap3A_96 = tpu.vector_load %arg8[%swap3A_94, %swap3A_95] {strides = array<i32>} : memref<24x320xf32, #tpu.memory_space<vmem>>, vector<16xf32>,
        tpu.vector_store %arg8[%swap3A_94, %swap3A_95], %broadcast_in_dim3A_2 {strides = array<i32>} : memref<24x320xf32, #tpu.memory_space<vmem>>, vector<16xf32>,
        %swap3A_97 = arith.index_cast %scan3A_68 : i32 to index
        %swap3A_98 = arith.constant 144 : index
        %swap3A_99 = tpu.vector_load %arg8[%swap3A_97, %swap3A_98] {strides = array<i32>} : memref<24x320xf32, #tpu.memory_space<vmem>>, vector<16xf32>,
        tpu.vector_store %arg8[%swap3A_97, %swap3A_98], %broadcast_in_dim3A_2 {strides = array<i32>} : memref<24x320xf32, #tpu.memory_space<vmem>>, vector<16xf32>,
        %swap3A_100 = arith.index_cast %scan3A_68 : i32 to index
        %swap3A_101 = arith.constant 160 : index
        %swap3A_102 = tpu.vector_load %arg8[%swap3A_100, %swap3A_101] {strides = array<i32>} : memref<24x320xf32, #tpu.memory_space<vmem>>, vector<16xf32>,
        tpu.vector_store %arg8[%swap3A_100, %swap3A_101], %broadcast_in_dim3A_2 {strides = array<i32>} : memref<24x320xf32, #tpu.memory_space<vmem>>, vector<16xf32>,
        %swap3A_103 = arith.index_cast %scan3A_68 : i32 to index
        %swap3A_104 = arith.constant 176 : index
        %swap3A_105 = tpu.vector_load %arg8[%swap3A_103, %swap3A_104] {strides = array<i32>} : memref<24x320xf32, #tpu.memory_space<vmem>>, vector<16xf32>,
        tpu.vector_store %arg8[%swap3A_103, %swap3A_104], %broadcast_in_dim3A_2 {strides = array<i32>} : memref<24x320xf32, #tpu.memory_space<vmem>>, vector<16xf32>,
        %swap3A_106 = arith.index_cast %scan3A_68 : i32 to index
        %swap3A_107 = arith.constant 192 : index
        %swap3A_108 = tpu.vector_load %arg8[%swap3A_106, %swap3A_107] {strides = array<i32>} : memref<24x320xf32, #tpu.memory_space<vmem>>, vector<16xf32>,
        tpu.vector_store %arg8[%swap3A_106, %swap3A_107], %broadcast_in_dim3A_2 {strides = array<i32>} : memref<24x320xf32, #tpu.memory_space<vmem>>, vector<16xf32>,
        %swap3A_109 = arith.index_cast %scan3A_68 : i32 to index
        %swap3A_110 = arith.constant 208 : index
        %swap3A_111 = tpu.vector_load %arg8[%swap3A_109, %swap3A_110] {strides = array<i32>} : memref<24x320xf32, #tpu.memory_space<vmem>>, vector<16xf32>,
        tpu.vector_store %arg8[%swap3A_109, %swap3A_110], %broadcast_in_dim3A_2 {strides = array<i32>} : memref<24x320xf32, #tpu.memory_space<vmem>>, vector<16xf32>,
        %swap3A_112 = arith.index_cast %scan3A_68 : i32 to index
        %swap3A_113 = arith.constant 224 : index
        %swap3A_114 = tpu.vector_load %arg8[%swap3A_112, %swap3A_113] {strides = array<i32>} : memref<24x320xf32, #tpu.memory_space<vmem>>, vector<16xf32>,
        tpu.vector_store %arg8[%swap3A_112, %swap3A_113], %broadcast_in_dim3A_2 {strides = array<i32>} : memref<24x320xf32, #tpu.memory_space<vmem>>, vector<16xf32>,
        %swap3A_115 = arith.index_cast %scan3A_68 : i32 to index
        %swap3A_116 = arith.constant 240 : index
        %swap3A_117 = tpu.vector_load %arg8[%swap3A_115, %swap3A_116] {strides = array<i32>} : memref<24x320xf32, #tpu.memory_space<vmem>>, vector<16xf32>,
        tpu.vector_store %arg8[%swap3A_115, %swap3A_116], %broadcast_in_dim3A_2 {strides = array<i32>} : memref<24x320xf32, #tpu.memory_space<vmem>>, vector<16xf32>,
        %swap3A_118 = arith.index_cast %scan3A_68 : i32 to index
        %swap3A_119 = arith.constant 256 : index
        %swap3A_120 = tpu.vector_load %arg8[%swap3A_118, %swap3A_119] {strides = array<i32>} : memref<24x320xf32, #tpu.memory_space<vmem>>, vector<16xf32>,
        tpu.vector_store %arg8[%swap3A_118, %swap3A_119], %broadcast_in_dim3A_2 {strides = array<i32>} : memref<24x320xf32, #tpu.memory_space<vmem>>, vector<16xf32>,
        %swap3A_121 = arith.index_cast %scan3A_68 : i32 to index
        %swap3A_122 = arith.constant 272 : index
        %swap3A_123 = tpu.vector_load %arg8[%swap3A_121, %swap3A_122] {strides = array<i32>} : memref<24x320xf32, #tpu.memory_space<vmem>>, vector<16xf32>,
        tpu.vector_store %arg8[%swap3A_121, %swap3A_122], %broadcast_in_dim3A_2 {strides = array<i32>} : memref<24x320xf32, #tpu.memory_space<vmem>>, vector<16xf32>,
        %swap3A_124 = arith.index_cast %scan3A_68 : i32 to index
        %swap3A_125 = arith.constant 288 : index
        %swap3A_126 = tpu.vector_load %arg8[%swap3A_124, %swap3A_125] {strides = array<i32>} : memref<24x320xf32, #tpu.memory_space<vmem>>, vector<16xf32>,
        tpu.vector_store %arg8[%swap3A_124, %swap3A_125], %broadcast_in_dim3A_2 {strides = array<i32>} : memref<24x320xf32, #tpu.memory_space<vmem>>, vector<16xf32>,
        %swap3A_127 = arith.index_cast %scan3A_68 : i32 to index
        %swap3A_128 = arith.constant 304 : index
        %swap3A_129 = tpu.vector_load %arg8[%swap3A_127, %swap3A_128] {strides = array<i32>} : memref<24x320xf32, #tpu.memory_space<vmem>>, vector<16xf32>,
        tpu.vector_store %arg8[%swap3A_127, %swap3A_128], %broadcast_in_dim3A_2 {strides = array<i32>} : memref<24x320xf32, #tpu.memory_space<vmem>>, vector<16xf32>,
        %add3A = vector.broadcast %min3A_6 : i32 to vector<16xi32>
        %add3A_130 = arith.addi %broadcast_in_dim3A_69, %add3A : vector<16xi32>
        %min3A_131 = arith.constant 79 : i32
        %min3A_132 = vector.broadcast %min3A_131 : i32 to vector<16xi32>
        %min3A_133 = arith.minsi %add3A_130, %min3A_132 : vector<16xi32>
        %gather3A_134 = tpu.vector_load_idx %arg7[%broadcast_in_dim3A_69, %and3A_1] : memref<24x4xf32, #tpu.memory_space<vmem>>[vector<16xi32>, vector<16xi32>], vector<16xf32>,
        %gather3A_135 = tpu.vector_load_idx %arg6[%min3A_133] : memref<80xf32, #tpu.memory_space<vmem>>[vector<16xi32>], vector<16xf32>,
        %mul3A_136 = arith.constant 4 : i32
        %mul3A_137 = vector.broadcast %mul3A_136 : i32 to vector<16xi32>
        %mul3A_138 = arith.muli %min3A_133, %mul3A_137 : vector<16xi32>
        %add3A_139 = arith.addi %mul3A_138, %and3A_1 : vector<16xi32>
        %lt3A = arith.constant 4 : i32
        %lt3A_140 = vector.broadcast %lt3A : i32 to vector<16xi32>
        %lt3A_141 = arith.cmpi slt, %iota3A, %lt3A_140 : vector<16xi32>
        %lt3A_142 = arith.constant 80 : i32
        %lt3A_143 = vector.broadcast %lt3A_142 : i32 to vector<16xi32>
        %lt3A_144 = arith.cmpi slt, %add3A_130, %lt3A_143 : vector<16xi32>
        %and3A_145 = arith.andi %lt3A_141, %lt3A_144 : vector<16xi1>
        %mul3A_146 = arith.mulf %gather3A_134, %gather3A_135 : vector<16xf32>
        tpu.vector_store_idx %arg8[%broadcast_in_dim3A_69, %add3A_139], %mul3A_146 masked %and3A_145 : memref<24x320xf32, #tpu.memory_space<vmem>>[vector<16xi32>, vector<16xi32>], vector<16xf32>, vector<16xi1>
      }
      %scan3A_48 = arith.constant 24 : i32
      %dma_start3A = arith.constant 0 : i32
      %dma_start3A_49 = arith.constant 0 : i32
      %dma_start3A_50 = tpu.memref_slice %arg8[%dma_start3A, %dma_start3A_49] : memref<24x320xf32, #tpu.memory_space<vmem>> -> memref<24x320xf32, #tpu.memory_space<vmem>>
      %dma_start3A_51 = arith.constant 0 : i32
      %dma_start3A_52 = tpu.memref_slice %arg4[%min3A_6, %dma_start3A_51] : memref<300x320xf32, #tpu.memory_space<hbm>> -> memref<24x320xf32, #tpu.memory_space<hbm>>
      %dma_start3A_53 = arith.constant 0 : i32
      %dma_start3A_54 = tpu.memref_slice %arg4[%min3A_6, %dma_start3A_53] : memref<300x320xf32, #tpu.memory_space<hbm>> -> memref<24x320xf32, #tpu.memory_space<hbm>>
      %dma_start3A_55 = arith.constant 0 : i32
      %dma_start3A_56 = arith.constant 0 : i32
      %dma_start3A_57 = tpu.memref_slice %arg8[%dma_start3A_55, %dma_start3A_56] : memref<24x320xf32, #tpu.memory_space<vmem>> -> memref<24x320xf32, #tpu.memory_space<vmem>>
      tpu.enqueue_dma source(%dma_start3A_57 : memref<24x320xf32, #tpu.memory_space<vmem>>) target(%dma_start3A_54 : memref<24x320xf32, #tpu.memory_space<hbm>>) target_semaphore(%arg11 : memref<!tpu.dma_semaphore, #tpu.memory_space<semaphore_mem>>)
      %dma_wait3A_58 = arith.constant 0 : i32
      %dma_wait3A_59 = arith.constant 0 : i32
      %dma_wait3A_60 = tpu.memref_slice %arg8[%dma_wait3A_58, %dma_wait3A_59] : memref<24x320xf32, #tpu.memory_space<vmem>> -> memref<24x320xf32, #tpu.memory_space<vmem>>
      %dma_wait3A_61 = arith.constant 0 : i32
      %dma_wait3A_62 = tpu.memref_slice %arg4[%min3A_6, %dma_wait3A_61] : memref<300x320xf32, #tpu.memory_space<hbm>> -> memref<24x320xf32, #tpu.memory_space<hbm>>
      %dma_wait3A_63 = arith.constant 0 : i32
      %dma_wait3A_64 = tpu.memref_slice %arg4[%min3A_6, %dma_wait3A_63] : memref<300x320xf32, #tpu.memory_space<hbm>> -> memref<24x320xf32, #tpu.memory_space<hbm>>
      %dma_wait3A_65 = arith.constant 0 : i32
      %dma_wait3A_66 = arith.constant 0 : i32
      %dma_wait3A_67 = tpu.memref_slice %arg8[%dma_wait3A_65, %dma_wait3A_66] : memref<24x320xf32, #tpu.memory_space<vmem>> -> memref<24x320xf32, #tpu.memory_space<vmem>>
      tpu.wait_dma2 semaphore(%arg11 : memref<!tpu.dma_semaphore, #tpu.memory_space<semaphore_mem>>) src(%dma_wait3A_67 : memref<24x320xf32, #tpu.memory_space<vmem>>) dst(%dma_wait3A_64 : memref<24x320xf32, #tpu.memory_space<hbm>>)
    } else {
    }
    %eq3A_30 = arith.constant 13 : i32
    %eq3A_31 = arith.cmpi eq, %arg1, %eq3A_30 : i32
    %convert_element_type3A_32 = arith.extui %eq3A_31 : i1 to i32
    %cond3A_33 = arith.constant 0 : i32
    %cond3A_34 = arith.cmpi ne, %convert_element_type3A_32, %cond3A_33 : i32
    scf.if %cond3A_34 {
      %dma_wait3A = arith.constant 0 : i32
      %dma_wait3A_35 = arith.constant 0 : i32
      %dma_wait3A_36 = tpu.memref_slice %arg7[%dma_wait3A, %dma_wait3A_35] : memref<24x4xf32, #tpu.memory_space<vmem>> -> memref<4x4xf32, #tpu.memory_space<vmem>>
      %dma_wait3A_37 = arith.constant 296 : i32
      %dma_wait3A_38 = arith.constant 0 : i32
      %dma_wait3A_39 = tpu.memref_slice %arg2[%dma_wait3A_37, %dma_wait3A_38] : memref<300x4xf32, #tpu.memory_space<hbm>> -> memref<4x4xf32, #tpu.memory_space<hbm>>
      %dma_wait3A_40 = arith.constant 0 : i32
      %dma_wait3A_41 = arith.constant 0 : i32
      %dma_wait3A_42 = tpu.memref_slice %arg7[%dma_wait3A_40, %dma_wait3A_41] : memref<24x4xf32, #tpu.memory_space<vmem>> -> memref<4x4xf32, #tpu.memory_space<vmem>>
      %dma_wait3A_43 = arith.constant 296 : i32
      %dma_wait3A_44 = arith.constant 0 : i32
      %dma_wait3A_45 = tpu.memref_slice %arg2[%dma_wait3A_43, %dma_wait3A_44] : memref<300x4xf32, #tpu.memory_space<hbm>> -> memref<4x4xf32, #tpu.memory_space<hbm>>
      tpu.wait_dma2 semaphore(%arg10 : memref<!tpu.dma_semaphore, #tpu.memory_space<semaphore_mem>>) src(%dma_wait3A_45 : memref<4x4xf32, #tpu.memory_space<hbm>>) dst(%dma_wait3A_42 : memref<4x4xf32, #tpu.memory_space<vmem>>)
      %scan3A = arith.constant 0 : i32
      %scan3A_46 = arith.constant 0 : i32
      %scan3A_47 = arith.constant 4 : i32
      %scan3A_48 = arith.addi %scan3A_46, %scan3A_47 : i32
      %scan3A_49 = arith.constant 1 : i32
      scf.for %scan3A_74 = %scan3A_46 to %scan3A_48 step %scan3A_49  : i32 {
        %broadcast_in_dim3A_75 = vector.broadcast %scan3A_74 : i32 to vector<16xi32>
        %swap3A_76 = arith.index_cast %scan3A_74 : i32 to index
        %swap3A_77 = arith.constant 0 : index
        %swap3A_78 = tpu.vector_load %arg8[%swap3A_76, %swap3A_77] {strides = array<i32>} : memref<24x320xf32, #tpu.memory_space<vmem>>, vector<16xf32>,
        tpu.vector_store %arg8[%swap3A_76, %swap3A_77], %broadcast_in_dim3A_2 {strides = array<i32>} : memref<24x320xf32, #tpu.memory_space<vmem>>, vector<16xf32>,
        %swap3A_79 = arith.index_cast %scan3A_74 : i32 to index
        %swap3A_80 = arith.constant 16 : index
        %swap3A_81 = tpu.vector_load %arg8[%swap3A_79, %swap3A_80] {strides = array<i32>} : memref<24x320xf32, #tpu.memory_space<vmem>>, vector<16xf32>,
        tpu.vector_store %arg8[%swap3A_79, %swap3A_80], %broadcast_in_dim3A_2 {strides = array<i32>} : memref<24x320xf32, #tpu.memory_space<vmem>>, vector<16xf32>,
        %swap3A_82 = arith.index_cast %scan3A_74 : i32 to index
        %swap3A_83 = arith.constant 32 : index
        %swap3A_84 = tpu.vector_load %arg8[%swap3A_82, %swap3A_83] {strides = array<i32>} : memref<24x320xf32, #tpu.memory_space<vmem>>, vector<16xf32>,
        tpu.vector_store %arg8[%swap3A_82, %swap3A_83], %broadcast_in_dim3A_2 {strides = array<i32>} : memref<24x320xf32, #tpu.memory_space<vmem>>, vector<16xf32>,
        %swap3A_85 = arith.index_cast %scan3A_74 : i32 to index
        %swap3A_86 = arith.constant 48 : index
        %swap3A_87 = tpu.vector_load %arg8[%swap3A_85, %swap3A_86] {strides = array<i32>} : memref<24x320xf32, #tpu.memory_space<vmem>>, vector<16xf32>,
        tpu.vector_store %arg8[%swap3A_85, %swap3A_86], %broadcast_in_dim3A_2 {strides = array<i32>} : memref<24x320xf32, #tpu.memory_space<vmem>>, vector<16xf32>,
        %swap3A_88 = arith.index_cast %scan3A_74 : i32 to index
        %swap3A_89 = arith.constant 64 : index
        %swap3A_90 = tpu.vector_load %arg8[%swap3A_88, %swap3A_89] {strides = array<i32>} : memref<24x320xf32, #tpu.memory_space<vmem>>, vector<16xf32>,
        tpu.vector_store %arg8[%swap3A_88, %swap3A_89], %broadcast_in_dim3A_2 {strides = array<i32>} : memref<24x320xf32, #tpu.memory_space<vmem>>, vector<16xf32>,
        %swap3A_91 = arith.index_cast %scan3A_74 : i32 to index
        %swap3A_92 = arith.constant 80 : index
        %swap3A_93 = tpu.vector_load %arg8[%swap3A_91, %swap3A_92] {strides = array<i32>} : memref<24x320xf32, #tpu.memory_space<vmem>>, vector<16xf32>,
        tpu.vector_store %arg8[%swap3A_91, %swap3A_92], %broadcast_in_dim3A_2 {strides = array<i32>} : memref<24x320xf32, #tpu.memory_space<vmem>>, vector<16xf32>,
        %swap3A_94 = arith.index_cast %scan3A_74 : i32 to index
        %swap3A_95 = arith.constant 96 : index
        %swap3A_96 = tpu.vector_load %arg8[%swap3A_94, %swap3A_95] {strides = array<i32>} : memref<24x320xf32, #tpu.memory_space<vmem>>, vector<16xf32>,
        tpu.vector_store %arg8[%swap3A_94, %swap3A_95], %broadcast_in_dim3A_2 {strides = array<i32>} : memref<24x320xf32, #tpu.memory_space<vmem>>, vector<16xf32>,
        %swap3A_97 = arith.index_cast %scan3A_74 : i32 to index
        %swap3A_98 = arith.constant 112 : index
        %swap3A_99 = tpu.vector_load %arg8[%swap3A_97, %swap3A_98] {strides = array<i32>} : memref<24x320xf32, #tpu.memory_space<vmem>>, vector<16xf32>,
        tpu.vector_store %arg8[%swap3A_97, %swap3A_98], %broadcast_in_dim3A_2 {strides = array<i32>} : memref<24x320xf32, #tpu.memory_space<vmem>>, vector<16xf32>,
        %swap3A_100 = arith.index_cast %scan3A_74 : i32 to index
        %swap3A_101 = arith.constant 128 : index
        %swap3A_102 = tpu.vector_load %arg8[%swap3A_100, %swap3A_101] {strides = array<i32>} : memref<24x320xf32, #tpu.memory_space<vmem>>, vector<16xf32>,
        tpu.vector_store %arg8[%swap3A_100, %swap3A_101], %broadcast_in_dim3A_2 {strides = array<i32>} : memref<24x320xf32, #tpu.memory_space<vmem>>, vector<16xf32>,
        %swap3A_103 = arith.index_cast %scan3A_74 : i32 to index
        %swap3A_104 = arith.constant 144 : index
        %swap3A_105 = tpu.vector_load %arg8[%swap3A_103, %swap3A_104] {strides = array<i32>} : memref<24x320xf32, #tpu.memory_space<vmem>>, vector<16xf32>,
        tpu.vector_store %arg8[%swap3A_103, %swap3A_104], %broadcast_in_dim3A_2 {strides = array<i32>} : memref<24x320xf32, #tpu.memory_space<vmem>>, vector<16xf32>,
        %swap3A_106 = arith.index_cast %scan3A_74 : i32 to index
        %swap3A_107 = arith.constant 160 : index
        %swap3A_108 = tpu.vector_load %arg8[%swap3A_106, %swap3A_107] {strides = array<i32>} : memref<24x320xf32, #tpu.memory_space<vmem>>, vector<16xf32>,
        tpu.vector_store %arg8[%swap3A_106, %swap3A_107], %broadcast_in_dim3A_2 {strides = array<i32>} : memref<24x320xf32, #tpu.memory_space<vmem>>, vector<16xf32>,
        %swap3A_109 = arith.index_cast %scan3A_74 : i32 to index
        %swap3A_110 = arith.constant 176 : index
        %swap3A_111 = tpu.vector_load %arg8[%swap3A_109, %swap3A_110] {strides = array<i32>} : memref<24x320xf32, #tpu.memory_space<vmem>>, vector<16xf32>,
        tpu.vector_store %arg8[%swap3A_109, %swap3A_110], %broadcast_in_dim3A_2 {strides = array<i32>} : memref<24x320xf32, #tpu.memory_space<vmem>>, vector<16xf32>,
        %swap3A_112 = arith.index_cast %scan3A_74 : i32 to index
        %swap3A_113 = arith.constant 192 : index
        %swap3A_114 = tpu.vector_load %arg8[%swap3A_112, %swap3A_113] {strides = array<i32>} : memref<24x320xf32, #tpu.memory_space<vmem>>, vector<16xf32>,
        tpu.vector_store %arg8[%swap3A_112, %swap3A_113], %broadcast_in_dim3A_2 {strides = array<i32>} : memref<24x320xf32, #tpu.memory_space<vmem>>, vector<16xf32>,
        %swap3A_115 = arith.index_cast %scan3A_74 : i32 to index
        %swap3A_116 = arith.constant 208 : index
        %swap3A_117 = tpu.vector_load %arg8[%swap3A_115, %swap3A_116] {strides = array<i32>} : memref<24x320xf32, #tpu.memory_space<vmem>>, vector<16xf32>,
        tpu.vector_store %arg8[%swap3A_115, %swap3A_116], %broadcast_in_dim3A_2 {strides = array<i32>} : memref<24x320xf32, #tpu.memory_space<vmem>>, vector<16xf32>,
        %swap3A_118 = arith.index_cast %scan3A_74 : i32 to index
        %swap3A_119 = arith.constant 224 : index
        %swap3A_120 = tpu.vector_load %arg8[%swap3A_118, %swap3A_119] {strides = array<i32>} : memref<24x320xf32, #tpu.memory_space<vmem>>, vector<16xf32>,
        tpu.vector_store %arg8[%swap3A_118, %swap3A_119], %broadcast_in_dim3A_2 {strides = array<i32>} : memref<24x320xf32, #tpu.memory_space<vmem>>, vector<16xf32>,
        %swap3A_121 = arith.index_cast %scan3A_74 : i32 to index
        %swap3A_122 = arith.constant 240 : index
        %swap3A_123 = tpu.vector_load %arg8[%swap3A_121, %swap3A_122] {strides = array<i32>} : memref<24x320xf32, #tpu.memory_space<vmem>>, vector<16xf32>,
        tpu.vector_store %arg8[%swap3A_121, %swap3A_122], %broadcast_in_dim3A_2 {strides = array<i32>} : memref<24x320xf32, #tpu.memory_space<vmem>>, vector<16xf32>,
        %swap3A_124 = arith.index_cast %scan3A_74 : i32 to index
        %swap3A_125 = arith.constant 256 : index
        %swap3A_126 = tpu.vector_load %arg8[%swap3A_124, %swap3A_125] {strides = array<i32>} : memref<24x320xf32, #tpu.memory_space<vmem>>, vector<16xf32>,
        tpu.vector_store %arg8[%swap3A_124, %swap3A_125], %broadcast_in_dim3A_2 {strides = array<i32>} : memref<24x320xf32, #tpu.memory_space<vmem>>, vector<16xf32>,
        %swap3A_127 = arith.index_cast %scan3A_74 : i32 to index
        %swap3A_128 = arith.constant 272 : index
        %swap3A_129 = tpu.vector_load %arg8[%swap3A_127, %swap3A_128] {strides = array<i32>} : memref<24x320xf32, #tpu.memory_space<vmem>>, vector<16xf32>,
        tpu.vector_store %arg8[%swap3A_127, %swap3A_128], %broadcast_in_dim3A_2 {strides = array<i32>} : memref<24x320xf32, #tpu.memory_space<vmem>>, vector<16xf32>,
        %swap3A_130 = arith.index_cast %scan3A_74 : i32 to index
        %swap3A_131 = arith.constant 288 : index
        %swap3A_132 = tpu.vector_load %arg8[%swap3A_130, %swap3A_131] {strides = array<i32>} : memref<24x320xf32, #tpu.memory_space<vmem>>, vector<16xf32>,
        tpu.vector_store %arg8[%swap3A_130, %swap3A_131], %broadcast_in_dim3A_2 {strides = array<i32>} : memref<24x320xf32, #tpu.memory_space<vmem>>, vector<16xf32>,
        %swap3A_133 = arith.index_cast %scan3A_74 : i32 to index
        %swap3A_134 = arith.constant 304 : index
        %swap3A_135 = tpu.vector_load %arg8[%swap3A_133, %swap3A_134] {strides = array<i32>} : memref<24x320xf32, #tpu.memory_space<vmem>>, vector<16xf32>,
        tpu.vector_store %arg8[%swap3A_133, %swap3A_134], %broadcast_in_dim3A_2 {strides = array<i32>} : memref<24x320xf32, #tpu.memory_space<vmem>>, vector<16xf32>,
        %add3A = arith.constant 296 : i32
        %add3A_136 = vector.broadcast %add3A : i32 to vector<16xi32>
        %add3A_137 = arith.addi %broadcast_in_dim3A_75, %add3A_136 : vector<16xi32>
        %min3A_138 = arith.constant 79 : i32
        %min3A_139 = vector.broadcast %min3A_138 : i32 to vector<16xi32>
        %min3A_140 = arith.minsi %add3A_137, %min3A_139 : vector<16xi32>
        %gather3A_141 = tpu.vector_load_idx %arg7[%broadcast_in_dim3A_75, %and3A_1] : memref<24x4xf32, #tpu.memory_space<vmem>>[vector<16xi32>, vector<16xi32>], vector<16xf32>,
        %gather3A_142 = tpu.vector_load_idx %arg6[%min3A_140] : memref<80xf32, #tpu.memory_space<vmem>>[vector<16xi32>], vector<16xf32>,
        %mul3A_143 = arith.constant 4 : i32
        %mul3A_144 = vector.broadcast %mul3A_143 : i32 to vector<16xi32>
        %mul3A_145 = arith.muli %min3A_140, %mul3A_144 : vector<16xi32>
        %add3A_146 = arith.addi %mul3A_145, %and3A_1 : vector<16xi32>
        %lt3A = arith.constant 4 : i32
        %lt3A_147 = vector.broadcast %lt3A : i32 to vector<16xi32>
        %lt3A_148 = arith.cmpi slt, %iota3A, %lt3A_147 : vector<16xi32>
        %lt3A_149 = arith.constant 80 : i32
        %lt3A_150 = vector.broadcast %lt3A_149 : i32 to vector<16xi32>
        %lt3A_151 = arith.cmpi slt, %add3A_137, %lt3A_150 : vector<16xi32>
        %and3A_152 = arith.andi %lt3A_148, %lt3A_151 : vector<16xi1>
        %mul3A_153 = arith.mulf %gather3A_141, %gather3A_142 : vector<16xf32>
        tpu.vector_store_idx %arg8[%broadcast_in_dim3A_75, %add3A_146], %mul3A_153 masked %and3A_152 : memref<24x320xf32, #tpu.memory_space<vmem>>[vector<16xi32>, vector<16xi32>], vector<16xf32>, vector<16xi1>
      }
      %scan3A_50 = arith.constant 4 : i32
      %dma_start3A = arith.constant 0 : i32
      %dma_start3A_51 = arith.constant 0 : i32
      %dma_start3A_52 = tpu.memref_slice %arg8[%dma_start3A, %dma_start3A_51] : memref<24x320xf32, #tpu.memory_space<vmem>> -> memref<4x320xf32, #tpu.memory_space<vmem>>
      %dma_start3A_53 = arith.constant 296 : i32
      %dma_start3A_54 = arith.constant 0 : i32
      %dma_start3A_55 = tpu.memref_slice %arg4[%dma_start3A_53, %dma_start3A_54] : memref<300x320xf32, #tpu.memory_space<hbm>> -> memref<4x320xf32, #tpu.memory_space<hbm>>
      %dma_start3A_56 = arith.constant 296 : i32
      %dma_start3A_57 = arith.constant 0 : i32
      %dma_start3A_58 = tpu.memref_slice %arg4[%dma_start3A_56, %dma_start3A_57] : memref<300x320xf32, #tpu.memory_space<hbm>> -> memref<4x320xf32, #tpu.memory_space<hbm>>
      %dma_start3A_59 = arith.constant 0 : i32
      %dma_start3A_60 = arith.constant 0 : i32
      %dma_start3A_61 = tpu.memref_slice %arg8[%dma_start3A_59, %dma_start3A_60] : memref<24x320xf32, #tpu.memory_space<vmem>> -> memref<4x320xf32, #tpu.memory_space<vmem>>
      tpu.enqueue_dma source(%dma_start3A_61 : memref<4x320xf32, #tpu.memory_space<vmem>>) target(%dma_start3A_58 : memref<4x320xf32, #tpu.memory_space<hbm>>) target_semaphore(%arg11 : memref<!tpu.dma_semaphore, #tpu.memory_space<semaphore_mem>>)
      %dma_wait3A_62 = arith.constant 0 : i32
      %dma_wait3A_63 = arith.constant 0 : i32
      %dma_wait3A_64 = tpu.memref_slice %arg8[%dma_wait3A_62, %dma_wait3A_63] : memref<24x320xf32, #tpu.memory_space<vmem>> -> memref<4x320xf32, #tpu.memory_space<vmem>>
      %dma_wait3A_65 = arith.constant 296 : i32
      %dma_wait3A_66 = arith.constant 0 : i32
      %dma_wait3A_67 = tpu.memref_slice %arg4[%dma_wait3A_65, %dma_wait3A_66] : memref<300x320xf32, #tpu.memory_space<hbm>> -> memref<4x320xf32, #tpu.memory_space<hbm>>
      %dma_wait3A_68 = arith.constant 296 : i32
      %dma_wait3A_69 = arith.constant 0 : i32
      %dma_wait3A_70 = tpu.memref_slice %arg4[%dma_wait3A_68, %dma_wait3A_69] : memref<300x320xf32, #tpu.memory_space<hbm>> -> memref<4x320xf32, #tpu.memory_space<hbm>>
      %dma_wait3A_71 = arith.constant 0 : i32
      %dma_wait3A_72 = arith.constant 0 : i32
      %dma_wait3A_73 = tpu.memref_slice %arg8[%dma_wait3A_71, %dma_wait3A_72] : memref<24x320xf32, #tpu.memory_space<vmem>> -> memref<4x320xf32, #tpu.memory_space<vmem>>
      tpu.wait_dma2 semaphore(%arg11 : memref<!tpu.dma_semaphore, #tpu.memory_space<semaphore_mem>>) src(%dma_wait3A_73 : memref<4x320xf32, #tpu.memory_space<vmem>>) dst(%dma_wait3A_70 : memref<4x320xf32, #tpu.memory_space<hbm>>)
    } else {
    }
    return
  }
}

module attributes {stable_mosaic.version = 14 : i64} {
  func.func @_tc_body(%arg0: memref<8xi32, #tpu.memory_space<smem>>, %arg1: memref<300x4xf32, #tpu.memory_space<vmem>>, %arg2: memref<300x320xf32, #tpu.memory_space<vmem>>) attributes {dimension_semantics = [], scalar_prefetch = 0 : i64, scratch_operands = 0 : i64, tpu.core_type = #tpu.core_type<tc>} {
    %iota3A = tpu.iota {dimensions = array<i32: 1>} : vector<1x320xi32>
    %shift_right_arithmetic3A = arith.constant 2 : i32
    %shift_right_arithmetic3A_0 = vector.broadcast %shift_right_arithmetic3A : i32 to vector<1x320xi32>
    %shift_right_arithmetic3A_1 = arith.shrsi %iota3A, %shift_right_arithmetic3A_0 : vector<1x320xi32>
    %and3A = arith.constant 3 : i32
    %and3A_2 = vector.broadcast %and3A : i32 to vector<1x320xi32>
    %and3A_3 = arith.andi %iota3A, %and3A_2 : vector<1x320xi32>
    %get3A = arith.constant 0 : index
    %get3A_4 = memref.load %arg0[%get3A] : memref<8xi32, #tpu.memory_space<smem>>
    %eq3A = vector.broadcast %get3A_4 : i32 to vector<1x320xi32>
    %eq3A_5 = arith.cmpi eq, %shift_right_arithmetic3A_1, %eq3A : vector<1x320xi32>
    %get3A_6 = arith.constant 1 : index
    %get3A_7 = memref.load %arg0[%get3A_6] : memref<8xi32, #tpu.memory_space<smem>>
    %eq3A_8 = vector.broadcast %get3A_7 : i32 to vector<1x320xi32>
    %eq3A_9 = arith.cmpi eq, %shift_right_arithmetic3A_1, %eq3A_8 : vector<1x320xi32>
    %or3A = arith.ori %eq3A_5, %eq3A_9 : vector<1x320xi1>
    %get3A_10 = arith.constant 2 : index
    %get3A_11 = memref.load %arg0[%get3A_10] : memref<8xi32, #tpu.memory_space<smem>>
    %eq3A_12 = vector.broadcast %get3A_11 : i32 to vector<1x320xi32>
    %eq3A_13 = arith.cmpi eq, %shift_right_arithmetic3A_1, %eq3A_12 : vector<1x320xi32>
    %or3A_14 = arith.ori %or3A, %eq3A_13 : vector<1x320xi1>
    %get3A_15 = arith.constant 3 : index
    %get3A_16 = memref.load %arg0[%get3A_15] : memref<8xi32, #tpu.memory_space<smem>>
    %eq3A_17 = vector.broadcast %get3A_16 : i32 to vector<1x320xi32>
    %eq3A_18 = arith.cmpi eq, %shift_right_arithmetic3A_1, %eq3A_17 : vector<1x320xi32>
    %or3A_19 = arith.ori %or3A_14, %eq3A_18 : vector<1x320xi1>
    %get3A_20 = arith.constant 4 : index
    %get3A_21 = memref.load %arg0[%get3A_20] : memref<8xi32, #tpu.memory_space<smem>>
    %eq3A_22 = vector.broadcast %get3A_21 : i32 to vector<1x320xi32>
    %eq3A_23 = arith.cmpi eq, %shift_right_arithmetic3A_1, %eq3A_22 : vector<1x320xi32>
    %or3A_24 = arith.ori %or3A_19, %eq3A_23 : vector<1x320xi1>
    %get3A_25 = arith.constant 5 : index
    %get3A_26 = memref.load %arg0[%get3A_25] : memref<8xi32, #tpu.memory_space<smem>>
    %eq3A_27 = vector.broadcast %get3A_26 : i32 to vector<1x320xi32>
    %eq3A_28 = arith.cmpi eq, %shift_right_arithmetic3A_1, %eq3A_27 : vector<1x320xi32>
    %or3A_29 = arith.ori %or3A_24, %eq3A_28 : vector<1x320xi1>
    %get3A_30 = arith.constant 6 : index
    %get3A_31 = memref.load %arg0[%get3A_30] : memref<8xi32, #tpu.memory_space<smem>>
    %eq3A_32 = vector.broadcast %get3A_31 : i32 to vector<1x320xi32>
    %eq3A_33 = arith.cmpi eq, %shift_right_arithmetic3A_1, %eq3A_32 : vector<1x320xi32>
    %or3A_34 = arith.ori %or3A_29, %eq3A_33 : vector<1x320xi1>
    %get3A_35 = arith.constant 7 : index
    %get3A_36 = memref.load %arg0[%get3A_35] : memref<8xi32, #tpu.memory_space<smem>>
    %eq3A_37 = vector.broadcast %get3A_36 : i32 to vector<1x320xi32>
    %eq3A_38 = arith.cmpi eq, %shift_right_arithmetic3A_1, %eq3A_37 : vector<1x320xi32>
    %or3A_39 = arith.ori %or3A_34, %eq3A_38 : vector<1x320xi1>
    %get3A_40 = arith.constant 0 : index
    %get3A_41 = arith.constant 0 : index
    %get3A_42 = vector.load %arg1[%get3A_40, %get3A_41] : memref<300x4xf32, #tpu.memory_space<vmem>>, vector<300x4xf32>
    %eq3A_43 = arith.constant 0 : i32
    %eq3A_44 = vector.broadcast %eq3A_43 : i32 to vector<1x320xi32>
    %eq3A_45 = arith.cmpi eq, %and3A_3, %eq3A_44 : vector<1x320xi32>
    %slice3A = vector.extract_strided_slice %get3A_42 {offsets = [0, 0], sizes = [300, 1], strides = [1, 1]} : vector<300x4xf32> to vector<300x1xf32>
    %eq3A_46 = arith.constant 1 : i32
    %eq3A_47 = vector.broadcast %eq3A_46 : i32 to vector<1x320xi32>
    %eq3A_48 = arith.cmpi eq, %and3A_3, %eq3A_47 : vector<1x320xi32>
    %slice3A_49 = vector.extract_strided_slice %get3A_42 {offsets = [0, 1], sizes = [300, 1], strides = [1, 1]} : vector<300x4xf32> to vector<300x1xf32>
    %eq3A_50 = arith.constant 2 : i32
    %eq3A_51 = vector.broadcast %eq3A_50 : i32 to vector<1x320xi32>
    %eq3A_52 = arith.cmpi eq, %and3A_3, %eq3A_51 : vector<1x320xi32>
    %slice3A_53 = vector.extract_strided_slice %get3A_42 {offsets = [0, 2], sizes = [300, 1], strides = [1, 1]} : vector<300x4xf32> to vector<300x1xf32>
    %slice3A_54 = vector.extract_strided_slice %get3A_42 {offsets = [0, 3], sizes = [300, 1], strides = [1, 1]} : vector<300x4xf32> to vector<300x1xf32>
    %broadcast_in_dim3A = vector.shape_cast %eq3A_52 : vector<1x320xi1> to vector<1x320xi1>
    %broadcast_in_dim3A_55 = vector.broadcast %broadcast_in_dim3A : vector<1x320xi1> to vector<300x320xi1>
    %broadcast_in_dim3A_56 = vector.shape_cast %slice3A_53 : vector<300x1xf32> to vector<300x1xf32>
    %broadcast_in_dim3A_57 = vector.broadcast %broadcast_in_dim3A_56 : vector<300x1xf32> to vector<300x320xf32>
    %broadcast_in_dim3A_58 = vector.shape_cast %slice3A_54 : vector<300x1xf32> to vector<300x1xf32>
    %broadcast_in_dim3A_59 = vector.broadcast %broadcast_in_dim3A_58 : vector<300x1xf32> to vector<300x320xf32>
    %select_n3A = arith.select %broadcast_in_dim3A_55, %broadcast_in_dim3A_57, %broadcast_in_dim3A_59 : vector<300x320xi1>, vector<300x320xf32>
    %broadcast_in_dim3A_60 = vector.shape_cast %eq3A_48 : vector<1x320xi1> to vector<1x320xi1>
    %broadcast_in_dim3A_61 = vector.broadcast %broadcast_in_dim3A_60 : vector<1x320xi1> to vector<300x320xi1>
    %broadcast_in_dim3A_62 = vector.shape_cast %slice3A_49 : vector<300x1xf32> to vector<300x1xf32>
    %broadcast_in_dim3A_63 = vector.broadcast %broadcast_in_dim3A_62 : vector<300x1xf32> to vector<300x320xf32>
    %select_n3A_64 = arith.select %broadcast_in_dim3A_61, %broadcast_in_dim3A_63, %select_n3A : vector<300x320xi1>, vector<300x320xf32>
    %broadcast_in_dim3A_65 = vector.shape_cast %eq3A_45 : vector<1x320xi1> to vector<1x320xi1>
    %broadcast_in_dim3A_66 = vector.broadcast %broadcast_in_dim3A_65 : vector<1x320xi1> to vector<300x320xi1>
    %broadcast_in_dim3A_67 = vector.shape_cast %slice3A : vector<300x1xf32> to vector<300x1xf32>
    %broadcast_in_dim3A_68 = vector.broadcast %broadcast_in_dim3A_67 : vector<300x1xf32> to vector<300x320xf32>
    %select_n3A_69 = arith.select %broadcast_in_dim3A_66, %broadcast_in_dim3A_68, %select_n3A_64 : vector<300x320xi1>, vector<300x320xf32>
    %jit3A = arith.constant 0.000000e+00 : f32
    %broadcast_in_dim3A_70 = vector.shape_cast %or3A_39 : vector<1x320xi1> to vector<1x320xi1>
    %broadcast_in_dim3A_71 = vector.broadcast %broadcast_in_dim3A_70 : vector<1x320xi1> to vector<300x320xi1>
    %broadcast_in_dim3A_72 = vector.broadcast %jit3A : f32 to vector<300x320xf32>
    %select_n3A_73 = arith.select %broadcast_in_dim3A_71, %select_n3A_69, %broadcast_in_dim3A_72 : vector<300x320xi1>, vector<300x320xf32>
    %swap3A = arith.constant 0 : index
    %swap3A_74 = arith.constant 0 : index
    %swap3A_75 = vector.load %arg2[%swap3A, %swap3A_74] : memref<300x320xf32, #tpu.memory_space<vmem>>, vector<300x320xf32>
    tpu.vector_store %arg2[%swap3A, %swap3A_74], %select_n3A_73 {strides = array<i32>} : memref<300x320xf32, #tpu.memory_space<vmem>>, vector<300x320xf32>,
    return
  }
}

</mosaic_0001>

<sc_bundles>
// kernel: kernel.4.cloned.1.call-start
scs
__scs_entry_jumppad:
0x0: {  	(pc) =	sbr.rel $0x88, $3  }
0x1: {  	(tag) =	ssettag $0x0;
	lr =	simm.s32 $0x1  }
0x2: {  	[smem:$0x3F9E] =	sst lr;
	_ =	strace $0xD0000000  }
0x3: {  	_ = 	snop  }
0x4: {  	_ = 	snop  }
0x5: {  	_ = 	snop  }
0x6: {  	_ = 	snop  }
0x7: {  	_ = 	snop  }
__scs_overlays_trampoline_lowered:
0x8: {  	[smem:$0x3FAD] =	sst s0  }
0x9: {  	[smem:$0x3FAE] =	sst s1  }
0xa: {  	[smem:$0x3FAF] =	sst s2  }
0xb: {  	[smem:$0x3FB0] =	sst s3  }
0xc: {  	[smem:$0x3FB1] =	sst s4  }
0xd: {  	[smem:$0x3FB2] =	sst s5  }
0xe: {  	[smem:$0x3FB3] =	sst s6  }
0xf: {  	[smem:$0x3FB4] =	sst s7  }
0x10: {  	[smem:$0x3FB5] =	sst s8  }
0x11: {  	[smem:$0x3FB6] =	sst s9;
	s0 =	simm.s32 @!p0 $0x0  }
0x12: {  	s1 =	sld [smem:$0x3F9C];
	s0 =	simm.s32 @p0 $0x1  }
0x13: {  	[smem:$0x3FB7] =	sst s0;
	s0 =	simm.s32 @!p1 $0x0  }
0x14: {  	s2 =	sld [smem:$0x3F9B];
	s0 =	simm.s32 @p1 $0x1  }
0x15: {  	[smem:$0x3FB8] =	sst s0;
	s0 =	simm.s32 @!p2 $0x0  }
0x16: {  	s3 =	sld [smem:$0x3FDB];
	s0 =	simm.s32 @p2 $0x1  }
0x17: {  	s4 =	simm.s32 $0x1BF5;
	[smem:$0x3FBA] =	sst s0  }
0x18: {  	s0 =	sld [smem:$0x3F9D];
	_ =	swait.ge [sflag:s4], $0x0  }
0x19: {  	s7 =	sld [smem:$0x3F9E]  }
0x1a: {  	s8 =	sadd.s32 $0xFFFFE003, lr  }
0x1b: {  	s9 =	sadd.s32 $0xFFFFFEF7, lr;
	s5 =	simm.s32 $0xFFFFFFFF;
	p2 =	slt.u32 s8, $0xFFFFF086  }
0x1c: {  	p1 =	slt.u32 s9, $0xF7A;
	s5 =	simm.s32 @!p2 $0x0  }
0x1d: {  	s5 =	simm.s32 @p1 $0x1;
	p0 =	seq.s32 s7, s2  }
0x1e: {  	s7 =	smul.u32 @!p0 $0xF7A, s2;
	p2 =	seq.s32 @!p0 s5, $0x0  }
0x1f: {  	s9 =	smul.u32 $0xF7A, s1;
	s8 =	simm.s32 @!p0 $0x1BF5;
	p2 =	por !p2, p0  }
0x20: {  	[sflag:s8] =	ssyncset.s32 @!p0 $0xFFFFF086;
	s6 =	sadd.s32 @!p0 s3, s7;
	s7 =	simm.s32 @!p0 $0x108  }
0x21: {  	s3 =	sadd.s32 s3, s9;
	s6 =	sadd.s32 @!p0 $0x88, s6;
	s7 =	simm.s32 @p2 $0x1082  }
0x22: {  	[simem:s7], [sflag:s8] =	dma.local @!p0 [hbm:s6], $0xF7A  }
0x23: {  	s9 =	sor.u32 $0xD0000000, s2;
	s6 =	simm.s32 $0x108;
	_ =	swait.ge @!p0 [sflag:s8], $0x0  }
0x24: {  	s3 =	sadd.s32 $0x88, s3;
	s6 =	simm.s32 @!p1 $0x1082;
	[sflag:s4] =	ssyncset.s32 $0xFFFFF086  }
0x25: {  	[simem:s6], [sflag:s4] =	dma.local [hbm:s3], $0xF7A  }
0x26: {  	[smem:$0x3F9E] =	sst s1;
	(tag) =	ssettag s2;
	_ =	strace s9  }
0x27: {  	s1 =	sld [smem:$0x3FAE]  }
0x28: {  	s2 =	sld [smem:$0x3FAF]  }
0x29: {  	s4 =	sld [smem:$0x3FB1]  }
0x2a: {  	p0 =	seq.s32 s5, $0x0;
	s5 =	sld [smem:$0x3FB2]  }
0x2b: {  	s6 =	sld [smem:$0x3FB3]  }
0x2c: {  	s7 =	sld [smem:$0x3FB4]  }
0x2d: {  	s3 =	simm.s32 $0x108;
	s8 =	sld [smem:$0x3FB5]  }
0x2e: {  	s3 =	simm.s32 @!p0 $0x1082;
	s9 =	sld [smem:$0x3FB6]  }
0x2f: {  	lr =	sadd.s32 s0, s3;
	s0 =	sld [smem:$0x3FAD]  }
0x30: {  	s3 =	sld [smem:$0x3FB0]  }
0x31: {  	[smem:$0x3FB9] =	sst s10  }
0x32: {  	s10 =	sld [smem:$0x3FB7];
	_ =	sdelay $0x3  }
0x33: {  	p0 =	seq.s32 s10, $0x1;
	s10 =	sld [smem:$0x3FB9];
	_ =	sdelay $0x3  }
0x34: {  	[smem:$0x3FB9] =	sst s10  }
0x35: {  	s10 =	sld [smem:$0x3FB8];
	_ =	sdelay $0x3  }
0x36: {  	p1 =	seq.s32 s10, $0x1;
	s10 =	sld [smem:$0x3FB9];
	_ =	sdelay $0x3  }
0x37: {  	[smem:$0x3FB9] =	sst s10  }
0x38: {  	s10 =	sld [smem:$0x3FBA]  }
0x39: {  	_ = 	snop;
	(pc) =	sbr.ind lr, $3  }
0x3a: {  	_ = 	snop  }
0x3b: {  	_ = 	snop  }
0x3c: {  	p2 =	seq.s32 s10, $0x1;
	s10 =	sld [smem:$0x3FB9]  }
0x3d: {  	_ =	shalt  }
0x3e: {  	_ =	shalt  }
0x3f: {  	_ =	shalt  }
0x40: {  	_ =	shalt  }
0x41: {  	_ =	shalt  }
0x42: {  	_ =	shalt  }
0x43: {  	_ =	shalt  }
0x44: {  	_ =	shalt  }
0x45: {  	_ =	shalt  }
0x46: {  	_ =	shalt  }
0x47: {  	_ =	shalt  }
0x48: {  	_ =	shalt  }
0x49: {  	_ =	shalt  }
0x4a: {  	_ =	shalt  }
0x4b: {  	_ =	shalt  }
0x4c: {  	_ =	shalt  }
0x4d: {  	_ =	shalt  }
0x4e: {  	_ =	shalt  }
0x4f: {  	_ =	shalt  }
0x50: {  	_ =	shalt  }
0x51: {  	_ =	shalt  }
0x52: {  	_ =	shalt  }
0x53: {  	_ =	shalt  }
0x54: {  	_ =	shalt  }
0x55: {  	_ =	shalt  }
0x56: {  	_ =	shalt  }
0x57: {  	_ =	shalt  }
0x58: {  	_ =	shalt  }
0x59: {  	_ =	shalt  }
0x5a: {  	_ =	shalt  }
0x5b: {  	_ =	shalt  }
0x5c: {  	_ =	shalt  }
0x5d: {  	_ =	shalt  }
0x5e: {  	_ =	shalt  }
0x5f: {  	_ =	shalt  }
0x60: {  	_ =	shalt  }
0x61: {  	_ =	shalt  }
0x62: {  	_ =	shalt  }
0x63: {  	_ =	shalt  }
0x64: {  	_ =	shalt  }
0x65: {  	_ =	shalt  }
0x66: {  	_ =	shalt  }
0x67: {  	_ =	shalt  }
0x68: {  	_ =	shalt  }
0x69: {  	_ =	shalt  }
0x6a: {  	_ =	shalt  }
0x6b: {  	_ =	shalt  }
0x6c: {  	_ =	shalt  }
0x6d: {  	_ =	shalt  }
0x6e: {  	_ =	shalt  }
0x6f: {  	_ =	shalt  }
0x70: {  	_ =	shalt  }
0x71: {  	_ =	shalt  }
0x72: {  	_ =	shalt  }
0x73: {  	_ =	shalt  }
0x74: {  	_ =	shalt  }
0x75: {  	_ =	shalt  }
0x76: {  	_ =	shalt  }
0x77: {  	_ =	shalt  }
0x78: {  	_ =	shalt  }
0x79: {  	_ =	shalt  }
0x7a: {  	_ =	shalt  }
0x7b: {  	_ =	shalt  }
0x7c: {  	_ =	shalt  }
0x7d: {  	_ =	shalt  }
0x7e: {  	_ =	shalt  }
0x7f: {  	_ =	shalt  }
0x80: {  	_ =	shalt  }
0x81: {  	_ =	shalt  }
0x82: {  	_ =	shalt  }
0x83: {  	_ =	shalt  }
0x84: {  	_ =	shalt  }
0x85: {  	_ =	shalt  }
0x86: {  	_ =	shalt  }
0x87: {  	_ =	shalt  }
.Lfunc_end0:
.L_simem_size_0:
called_computation_lowered:
.L_overlay_start_0:
0x88: {  	s0 =	sld [smem:$0x3FD9]  }
0x89: {  	s1 =	sld [smem:$0x3FFE];
	_ =	sdelay $0x3  }
0x8a: {  	s0 =	sadd.s32 s1, s0  }
0x8b: {  	[smem:$0x3FC5] =	sst s0  }
0x8c: {  	_ = 	snop  }
0x8d: {  	s0 =	sld [smem:$0x3FD0];
	_ =	sdelay $0x2  }
0x8e: {  	s2 =	simm.s32 $0xA;
	s3 =	simm.s32 $0x10;
	s13 =	sld [smem:$0x3FC7]  }
0x8f: {  	[smem:s3], [sflag:s2] =	dma.local [hbm:s0], $0x1  }
0x90: {  	_ =	swait.eq [sflag:s2], $0x1  }
0x91: {  	[sflag:s2] =	ssyncset.done $0x0  }
0x92: {  	[sflag:s2] =	ssyncadd.s32 $0xFFFFFFFF  }
0x93: {  	s14 =	sld [smem:$0x11];
	(tm) =	ssettm $0x1  }
0x94: {  	s15 =	sld [smem:$0x3FFB];
	_ =	sdelay $0x3  }
0x95: {  	_ =	strace s15  }
0x96: {  	s2 =	sld [smem:$0x3FFC];
	_ =	sdelay $0x3  }
0x97: {  	_ =	strace s2  }
0x98: {  	s2 =	sld [smem:$0x3FFD];
	_ =	sdelay $0x3  }
0x99: {  	_ =	strace s2  }
0x9a: {  	_ =	strace $0x8FFFFFFF  }
0x9b: {  	s16 =	sld [smem:$0x3FDB];
	_ =	sdelay $0x1  }
0x9c: {  	s17 =	simm.s32 $_scs_section_size  }
0x9d: {  	s4 =	simm.s32 $_size__tile_overlayer_lowered;
	s5 =	simm.s32 $_tile_overlayer_lowered  }
0x9e: {  	s20 =	simm.s32 $0x1BFF;
	s19 =	sshll.u32 s5, $0x1;
	s2 =	sadd.s32 s17, s16  }
0x9f: {  	s6 =	simm.s32 $0x0;
	s18 =	sshll.u32 s4, $0x1;
	s4 =	sadd.s32 s19, s2  }
0xa0: {  	[timem:s6], [sflag:s20] =	dma.local [hbm:s4], s18  }
0xa1: {  	_ =	swait.ge [sflag:s20], s18  }
0xa2: {  	s3 =	ssub.s32 $0x0, s18;
	[sflag:s20] =	ssyncset.done $0x0  }
0xa3: {  	[sflag:s20] =	ssyncadd.s32 s3;
	_ =	sdelay $0x1  }
0xa4: {  	s21 =	simm.s32 $0x1B8B  }
0xa5: {  	_ =	swait.ge [sflag:s21], $0x1  }
0xa6: {  	[sflag:s21] =	ssyncset.done $0x0  }
0xa7: {  	s23 =	simm.s32 $0x1B8E;
	s22 =	sld [smem:$0x3FFE];
	[sflag:s21] =	ssyncadd.s32 $0xFFFFFFFF  }
0xa8: {  	s24 =	simm.s32 $execute0_lowered;
	[smem:$0x3FD2] =	sst s23  }
0xa9: {  	s4 =	sshll.u32 s24, $0x1;
	_ =	strace $0x80000046;
	[dreg:$0x1] =	wrdreg $0xFFFFFFFF  }
0xaa: {  	s25 =	simm.s32 $_size_execute0_lowered;
	s2 =	sadd.s32 s2, s4;
	[dreg:$0x0] =	wrdreg $0x0  }
0xab: {  	s4 =	sshll.u32 s25, $0x1;
	[dreg:$0x2] =	wrdreg s2  }
0xac: {  	[dreg:$0x3] =	wrdreg s4  }
0xad: {  	[dreg:$0x4] =	wrdreg $0xC0  }
0xae: {  	_ =	task [dreg:s6], $0x5FFFF  }
0xaf: {  	[dreg:$0x1] =	wrdreg $0xFFFFFFFF  }
0xb0: {  	[dreg:$0x0] =	wrdreg $0x60  }
0xb1: {  	[dreg:$0x2] =	wrdreg s22  }
0xb2: {  	[dreg:$0x3] =	wrdreg s13  }
0xb3: {  	[dreg:$0x4] =	wrdreg s14  }
0xb4: {  	[dreg:$0x5] =	wrdreg $0x9  }
0xb5: {  	_ =	task.clear_ibuf [dreg:s6], $0x6FFFF;
	_ =	strace $0x90000046  }
0xb6: {  	s26 =	simm.s32 $0x9;
	_ =	strace $0x80000048  }
0xb7: {  	_ =	swait.ge [sflag:s26], $0x1  }
0xb8: {  	[sflag:s26] =	ssyncadd.s32 $0xFFFFFFFF  }
0xb9: {  	_ =	strace $0x90000048  }
0xba: {  	_ =	sfence  }
0xbb: {  	s28 =	sld [smem:$0x0];
	_ =	sdelay $0x1  }
0xbc: {  	s29 =	srdreg.scid  }
0xbd: {  	s30 =	sshll.u32 s29, $0xD;
	s31 =	sshrl.u32 s29, $0x2  }
0xbe: {  	s1 =	sand.u32 $0x1, s29;
	s2 =	sand.u32 $0x4000, s30;
	s0 =	sadd.s32 s31, s28  }
0xbf: {  	s1 =	sor.u32 s2, s1;
	s0 =	sshll.u32 s0, $0x11  }
0xc0: {  	s0 =	sor.u32 s0, s1  }
0xc1: {  	s0 =	sadd.s32 $0x8F2B, s0  }
0xc2: {  	[sflag:s0] =	ssyncadd.remote.s32 $0x1  }
0xc3: {  	_ =	sfence.sel $0xFFFF  }
0xc4: {  	[dreg:$0x0] =	wrdreg $0xFFFFFFFF;
	(pc) =	sbr.abs _section_cstart, $3  }
0xc5: {  	[dreg:$0x1] =	wrdreg $0xFFFFFFFF  }
0xc6: {  	_ =	task.clear_ibuf [dreg:s6], $0x2FFFF;
	_ =	strace $0x9FFFFFFF  }
0xc7: {  	(tm) =	ssettm $0x7FFFFFFF  }
tec
execute0_lowered:
.L_overlay_start_1:
0x0: {  	(tag) =	ssettag $0x1  }
0x1: {  	s5 =	rddreg [dreg:$0x0]  }
0x2: {  	s4 =	rddreg [dreg:$0x1]  }
0x3: {  	s2 =	rddreg [dreg:$0x2]  }
0x4: {  	s0 =	rddreg [dreg:$0x3];
	s3 =	simm.s32 $0x0;
	s1 =	stileid.u32  }
0x5: {  	[smem:$0x7FF] =	sst s3;
	p1 =	sgt.u32 s1, $0xC  }
0x6: {  	s6 =	smul.u32 $0x18, s1;
	_ =	strace $0x80000047;
	p2 =	sne.s32 @p1 s1, $0xD  }
0x7: {  	[tilespmem:s3], [sflag:$0x1] =	stream.linear.gather [hbm4b:s4+s3], $0x80, $0x38;
	[tilespmem:$0x3100] =	vst v63  }
0x8: {  	s4 =	smin.u32 s6, $0x110;
	p0 =	por p2, !p1  }
0x9: {  	s6 =	sadd.s32 $0x1A80, s5;
	s7 =	simm.s32 @!p0 $0x0;
	s8 =	simm.s32 @!p0 $0x100  }
0xa: {  	[tilespmem:s8], [sflag:$0x2] =	stream.linear.gather @!p0 [hbm4b:s6+s7], $0x200, $0x38;
	[tilespmem:$0x3100] =	vst v63  }
0xb: {  	s5 =	sadd.s32 $0x800, s5;
	s6 =	sshll.u32 @!p1 s4, $0x4  }
0xc: {  	s7 =	simm.s32 @!p1 $0x100;
	s5 =	sadd.s32 @!p1 s5, s6;
	s6 =	simm.s32 @!p1 $0x0  }
0xd: {  	v0 =	vimm.f32 $0.0e+00;
	[tilespmem:s7], [sflag:$0x2] =	stream.linear.gather @!p1 [hbm4b:s5+s6], $0xC00, $0x38;
	[tilespmem:$0x3100] =	vst v63  }
0xe: {  	[tilespmem:$0x80] =	vst v0  }
0xf: {  	[tilespmem:$0x90] =	vst v0  }
0x10: {  	v1 =	vlaneseq.u32;
	[tilespmem:$0xA0] =	vst v0  }
0x11: {  	v2 =	vand.u32 $0x7, v1;
	[tilespmem:$0xB0] =	vst v0  }
0x12: {  	s31 =	simm.s32 $0x1;
	[tilespmem:$0xC0] =	vst v0  }
0x13: {  	_ =	swait.ge [sflag:s31], $0x80  }
0x14: {  	[sflag:s31] =	ssyncset.done $0x0  }
0x15: {  	[sflag:s31] =	ssyncadd.s32 $0xFFFFFF80  }
0x16: {  	v2 =	vld.idx.msk [tilespmem:v2+s3+$0x0], $0xffff;
	_ =	sdelay $0x3  }
.Ltmp0:
0x17: {  	_ = 	snop;
	(pc) =	sbr.rel @p1 .LBB2_4-.Ltmp0, $4  }
0x18: {  	_ = 	snop  }
0x19: {  	p3 =	por @p1 $0x0, $0x0;
	p2 =	por !p2, !p1;
	p0 =	por @!p0 $0x1, $0x1  }
0x1a: {  	v3 =	vimm.f32 $1.000000000e+00;
	p0 =	por @!p2 p3, p3;
	p2 =	por @!p1 $0x0, $0x0;
	s5 =	simm.s32 $0x80  }
0x1b: {  	p0 =	por @!p1 p2, p2;
	[tilespmem:v2+s5+$0x0] =	vst.idx.msk $0xffff, v3  }
0x1c: {  	s6 =	simm.s32 $0x0  }
0x1d: {  	s7 =	simm.s32 $0x2;
	s6 =	smul.u32 $0x3000, s6  }
0x1e: {  	_ =	swait.ge [sflag:s7], $0xC00  }
0x1f: {  	s8 =	sand.u32 $0x380, s3;
	[sflag:s7] =	ssyncset.done $0x0;
	s6 =	sshra.s32 s6, $0x2  }
0x20: {  	[sflag:s7] =	ssyncadd.s32 $0xFFFFF400;
	s9 =	sor.u32 s8, s6  }
0x21: {  	[tilespmem:s9+$0xD70] =	vst v0  }
0x22: {  	[tilespmem:s9+$0xD10] =	vst v0  }
0x23: {  	[tilespmem:s9+$0xD00] =	vst v0  }
0x24: {  	[tilespmem:s9+$0xD20] =	vst v0  }
0x25: {  	[tilespmem:s9+$0xD30] =	vst v0  }
0x26: {  	[tilespmem:s9+$0xD40] =	vst v0  }
0x27: {  	[tilespmem:s9+$0xD50] =	vst v0  }
0x28: {  	[tilespmem:s9+$0xD60] =	vst v0  }
0x29: {  	[tilespmem:s9+$0x1100] =	vst v0  }
0x2a: {  	[tilespmem:s9+$0x1110] =	vst v0  }
0x2b: {  	s31 =	sshrl.u32 s4, $0x3;
	[tilespmem:s9+$0x1120] =	vst v0  }
0x2c: {  	s6 =	smul.u32 $0x180, s31;
	[tilespmem:s9+$0x1130] =	vst v0  }
0x2d: {  	s11 =	sadd.s32 $0x0, s4;
	s10 =	simm.s32 $0x1;
	[tilespmem:s9+$0x1140] =	vst v0  }
0x2e: {  	v1 =	vand.u32 $0x3, v1;
	vm0 =	vmmov $0xf;
	v2 =	vmov s3;
	s7 =	simm.s32 $0xD00;
	s8 =	simm.s32 $0x100;
	[tilespmem:s9+$0x1150] =	vst v0;
	s6 =	sadd.s32 s2, s6  }
.LBB2_2:
0x2f: {  	p1 =	sne.s32 s10, $0x17;
	[tilespmem:s9+$0x1160] =	vst v0;
	v3 =	vmov s11;
	v4 =	vshll.u32 v2, $0x7  }
0x30: {  	[tilespmem:s9+$0x1170] =	vst v0;
	vm1 =	vlt.s32 v3, $0x4F;
	v5 =	vor.u32 v1, v4  }
0x31: {  	[tilespmem:s9+$0x1500] =	vst v0;
	v6 =	vnsel vm1, $0x4F, v3  }
0x32: {  	[tilespmem:s9+$0x1510] =	vst v0  }
0x33: {  	[tilespmem:s9+$0x1520] =	vst v0  }
0x34: {  	v2 =	vshrl.u32 v2, $0x3;
	[tilespmem:s9+$0x1530] =	vst v0  }
0x35: {  	v2 =	vmul.u32 $0xC00, v2;
	v7 =	vshll.u32 v6, $0x5;
	v5 =	vld.idx.msk [tilespmem:v5+s8+$0x0], $0xffff  }
0x36: {  	vm1 =	vlt.s32 v3, $0x50;
	v3 =	vand.u32 $0x7FFFFC00, v7;
	v8 =	vld.idx.msk [tilespmem:v6+s5+$0x0], $0xffff;
	v6 =	vshll.u32 v6, $0x2  }
0x37: {  	v2 =	vadd.s32 v2, v3;
	v3 =	vand.u32 $0x380, v4;
	v6 =	vor.u32 v1, v6  }
0x38: {  	vm1 =	vmand vm1, vm0;
	v2 =	vor.u32 v3, v2;
	v4 =	vand.u32 $0x7F, v6  }
0x39: {  	v2 =	vor.u32 v4, v2  }
0x3a: {  	s9 =	sshrl.u32 s10, $0x3  }
0x3b: {  	s9 =	smul.u32 $0x3000, s9  }
0x3c: {  	s3 =	sadd.s32 $0x80, s3;
	v3 =	vmul.f32 v8, v5  }
0x3d: {  	s11 =	sand.u32 $0x380, s3;
	s9 =	sshra.s32 s9, $0x2  }
0x3e: {  	s9 =	sor.u32 s11, s9;
	[tilespmem:v2+s7+$0x0] =	vst.idx.msk vm1, v3  }
0x3f: {  	[tilespmem:s9+$0xD70] =	vst v0  }
0x40: {  	[tilespmem:s9+$0xD10] =	vst v0  }
0x41: {  	[tilespmem:s9+$0xD00] =	vst v0  }
0x42: {  	[tilespmem:s9+$0xD20] =	vst v0  }
0x43: {  	[tilespmem:s9+$0xD30] =	vst v0  }
0x44: {  	[tilespmem:s9+$0xD40] =	vst v0  }
0x45: {  	[tilespmem:s9+$0xD50] =	vst v0  }
0x46: {  	[tilespmem:s9+$0xD60] =	vst v0  }
0x47: {  	[tilespmem:s9+$0x1100] =	vst v0  }
.Ltmp1:
0x48: {  	[tilespmem:s9+$0x1110] =	vst v0;
	(pc) =	sbr.rel @p1 .LBB2_2-.Ltmp1, $4  }
0x49: {  	[tilespmem:s9+$0x1120] =	vst v0  }
0x4a: {  	[tilespmem:s9+$0x1130] =	vst v0  }
0x4b: {  	[tilespmem:s9+$0x1140] =	vst v0  }
0x4c: {  	s11 =	sadd.s32 s4, s10;
	v2 =	vmov s10;
	s10 =	sadd.s32 $0x1, s10;
	[tilespmem:s9+$0x1150] =	vst v0  }
0x4d: {  	[tilespmem:s9+$0x1160] =	vst v0;
	v3 =	vmov s11;
	v4 =	vshll.u32 v2, $0x7  }
0x4e: {  	[tilespmem:s9+$0x1170] =	vst v0;
	vm1 =	vlt.s32 v3, $0x4F;
	v5 =	vor.u32 v1, v4  }
0x4f: {  	[tilespmem:s9+$0x1500] =	vst v0;
	v6 =	vnsel vm1, $0x4F, v3  }
0x50: {  	[tilespmem:s9+$0x1510] =	vst v0  }
0x51: {  	[tilespmem:s9+$0x1520] =	vst v0;
	v57 =	vshrl.u32 v2, $0x3  }
0x52: {  	[tilespmem:s9+$0x1530] =	vst v0;
	v58 =	vmul.u32 $0xC00, v57;
	v59 =	vshll.u32 v6, $0x5  }
0x53: {  	vm15 =	vlt.s32 v3, $0x50;
	v7 =	vshll.u32 v6, $0x2;
	v2 =	vand.u32 $0x7FFFFC00, v59;
	v5 =	vld.idx.msk [tilespmem:v5+s8+$0x0], $0xffff  }
0x54: {  	v62 =	vand.u32 $0x380, v4;
	v61 =	vor.u32 v1, v7;
	v0 =	vadd.s32 v58, v2;
	v60 =	vld.idx.msk [tilespmem:v6+s5+$0x0], $0xffff  }
0x55: {  	vm0 =	vmand vm15, vm0;
	v1 =	vand.u32 $0x7F, v61;
	v0 =	vor.u32 v62, v0  }
0x56: {  	v0 =	vor.u32 v1, v0;
	_ =	sdelay $0x2  }
0x57: {  	v63 =	vmul.f32 v60, v5;
	_ =	sdelay $0x1  }
0x58: {  	s3 =	simm.s32 $0x0;
	s4 =	simm.s32 $0xD00;
	s31 =	simm.s32 $0x3;
	[tilespmem:v0+s7+$0x0] =	vst.idx.msk vm0, v63  }
0x59: {  	[hbm4b:s6+s3] =	stream.linear.scatter [tilespmem:s4], [sflag:$0x3], $0x2400, $0x38;
	[tilespmem:$0x3100] =	vst v63  }
0x5a: {  	_ =	swait.ge [sflag:s31], $0x2400  }
0x5b: {  	[sflag:s31] =	ssyncset.done $0x0  }
0x5c: {  	[sflag:s31] =	ssyncadd.s32 $0xFFFFDC00  }
.LBB2_4:
.Ltmp2:
0x5d: {  	(pc) =	sbr.rel @!p0 .LBB2_8-.Ltmp2, $1  }
0x5e: {  	_ =	sdelay $0x3  }
0x5f: {  	s3 =	simm.s32 $0x2  }
0x60: {  	_ =	swait.ge [sflag:s3], $0x200  }
0x61: {  	[sflag:s3] =	ssyncset.done $0x0  }
0x62: {  	v0 =	vimm.f32 $0.0e+00;
	[sflag:s3] =	ssyncadd.s32 $0xFFFFFE00;
	s3 =	simm.s32 $0x1120  }
0x63: {  	[tilespmem:s3+$0xFFFFFC50] =	vst v0  }
0x64: {  	[tilespmem:s3+$0xFFFFFBF0] =	vst v0  }
0x65: {  	[tilespmem:s3+$0xFFFFFBE0] =	vst v0  }
0x66: {  	[tilespmem:s3+$0xFFFFFC00] =	vst v0  }
0x67: {  	[tilespmem:s3+$0xFFFFFC10] =	vst v0  }
0x68: {  	[tilespmem:s3+$0xFFFFFC20] =	vst v0  }
0x69: {  	[tilespmem:s3+$0xFFFFFC30] =	vst v0  }
0x6a: {  	[tilespmem:s3+$0xFFFFFC40] =	vst v0  }
0x6b: {  	[tilespmem:s3+$0xFFFFFFE0] =	vst v0  }
0x6c: {  	[tilespmem:s3+$0xFFFFFFF0] =	vst v0  }
0x6d: {  	[tilespmem:s3+$0x0] =	vst v0  }
0x6e: {  	v2 =	vlaneseq.u32;
	s2 =	sadd.s32 $0x3780, s2;
	s7 =	simm.s32 $0x0;
	s4 =	simm.s32 $0x100;
	v1 =	vimm.s32 $0x4F;
	vm0 =	vmxor vm0, vm0;
	[tilespmem:s3+$0x10] =	vst v0  }
0x6f: {  	s6 =	simm.s32 $0x80;
	s5 =	simm.s32 $0xD00;
	v3 =	vand.u32 $0x3, v2;
	v2 =	vor.u32 $0x83C, v2;
	v4 =	vmov s7;
	s7 =	simm.s32 $0x1;
	[tilespmem:s3+$0x20] =	vst v0  }
.LBB2_6:
0x70: {  	p0 =	sne.s32 s7, $0x3;
	[tilespmem:s3+$0x30] =	vst v0;
	v4 =	vshll.u32 v4, $0x7  }
0x71: {  	[tilespmem:s3+$0x40] =	vst v0;
	v4 =	vbroadcast v4, $0x0  }
0x72: {  	[tilespmem:s3+$0x50] =	vst v0  }
0x73: {  	[tilespmem:s3+$0x3E0] =	vst v0;
	v5 =	vor.u32 v3, v4  }
0x74: {  	[tilespmem:s3+$0x3F0] =	vst v0  }
0x75: {  	[tilespmem:s3+$0x400] =	vst v0  }
0x76: {  	[tilespmem:s3+$0x410] =	vst v0  }
0x77: {  	v6 =	vld.idx.msk [tilespmem:v1+s6+$0x0], $0xffff  }
0x78: {  	v5 =	vld.idx.msk [tilespmem:v5+s4+$0x0], $0xffff;
	_ =	sdelay $0x2  }
0x79: {  	v4 =	vor.u32 v2, v4;
	_ =	sdelay $0x2  }
0x7a: {  	v5 =	vmul.f32 v6, v5;
	_ =	sdelay $0x1  }
0x7b: {  	s3 =	sadd.s32 $0x80, s3;
	[tilespmem:v4+s5+$0x0] =	vst.idx.msk vm0, v5  }
0x7c: {  	[tilespmem:s3+$0xFFFFFC50] =	vst v0  }
0x7d: {  	[tilespmem:s3+$0xFFFFFBF0] =	vst v0  }
0x7e: {  	[tilespmem:s3+$0xFFFFFBE0] =	vst v0  }
0x7f: {  	[tilespmem:s3+$0xFFFFFC00] =	vst v0  }
0x80: {  	[tilespmem:s3+$0xFFFFFC10] =	vst v0  }
0x81: {  	[tilespmem:s3+$0xFFFFFC20] =	vst v0  }
0x82: {  	[tilespmem:s3+$0xFFFFFC30] =	vst v0  }
0x83: {  	[tilespmem:s3+$0xFFFFFC40] =	vst v0  }
.Ltmp3:
0x84: {  	[tilespmem:s3+$0xFFFFFFE0] =	vst v0;
	(pc) =	sbr.rel @p0 .LBB2_6-.Ltmp3, $4  }
0x85: {  	[tilespmem:s3+$0xFFFFFFF0] =	vst v0  }
0x86: {  	[tilespmem:s3+$0x0] =	vst v0  }
0x87: {  	[tilespmem:s3+$0x10] =	vst v0  }
0x88: {  	v4 =	vmov s7;
	s7 =	sadd.s32 $0x1, s7;
	[tilespmem:s3+$0x20] =	vst v0  }
0x89: {  	[tilespmem:s3+$0x30] =	vst v0;
	v4 =	vshll.u32 v4, $0x7  }
0x8a: {  	[tilespmem:s3+$0x40] =	vst v0;
	v4 =	vbroadcast v4, $0x0  }
0x8b: {  	[tilespmem:s3+$0x50] =	vst v0  }
0x8c: {  	[tilespmem:s3+$0x3E0] =	vst v0;
	v3 =	vor.u32 v3, v4  }
0x8d: {  	[tilespmem:s3+$0x3F0] =	vst v0  }
0x8e: {  	[tilespmem:s3+$0x400] =	vst v0  }
0x8f: {  	[tilespmem:s3+$0x410] =	vst v0  }
0x90: {  	v0 =	vld.idx.msk [tilespmem:v1+s6+$0x0], $0xffff  }
0x91: {  	v63 =	vld.idx.msk [tilespmem:v3+s4+$0x0], $0xffff;
	_ =	sdelay $0x1  }
0x92: {  	v2 =	vor.u32 v2, v4;
	_ =	sdelay $0x2  }
0x93: {  	v0 =	vmul.f32 v0, v63;
	_ =	sdelay $0x1  }
0x94: {  	s24 =	simm.s32 $0x0;
	s25 =	simm.s32 $0xD00;
	[tilespmem:v2+s5+$0x0] =	vst.idx.msk vm0, v0  }
0x95: {  	[hbm4b:s2+s24] =	stream.linear.scatter [tilespmem:s25], [sflag:$0x3], $0x200, $0x38;
	[tilespmem:$0x3100] =	vst v63  }
0x96: {  	s26 =	sadd.s32 $0x80, s2;
	s28 =	simm.s32 $0x1100  }
0x97: {  	[hbm4b:s26+s24] =	stream.linear.scatter [tilespmem:s28], [sflag:$0x3], $0x200, $0x38;
	[tilespmem:$0x3100] =	vst v63  }
0x98: {  	s29 =	sadd.s32 $0x100, s2;
	s30 =	simm.s32 $0x1500;
	s31 =	simm.s32 $0x3  }
0x99: {  	[hbm4b:s29+s24] =	stream.linear.scatter [tilespmem:s30], [sflag:$0x3], $0x200, $0x38;
	[tilespmem:$0x3100] =	vst v63  }
0x9a: {  	_ =	swait.ge [sflag:s31], $0x600  }
0x9b: {  	[sflag:s31] =	ssyncset.done $0x0  }
0x9c: {  	[sflag:s31] =	ssyncadd.s32 $0xFFFFFA00  }
.LBB2_8:
0x9d: {  	_ =	sfence.sel $0x180000  }
0x9e: {  	[bflag:$0x0] =	sbarrier.arrive $0xFFFF  }
0x9f: {  	p0 =	sne.s32 s1, $0x0;
	_ =	strace $0x90000047  }
0xa0: {  	s0 =	sadd.s32 @!p0 $0x100000, s0;
	[bflag:$0x2] =	sbarrier.arrive $0xFFFF  }
0xa1: {  	[sflag:s0] =	ssyncadd.tile.s32 @!p0 $0x1;
	_ =	shalt  }
.Lfunc_end2:
_tile_overlayer_lowered:
.L_overlay_start_2:
0xa2: {  	(tag) =	ssettag $0x2  }
0xa3: {  	s0 =	rddreg [dreg:$0x0];
	s2 =	stileid.u32  }
0xa4: {  	s1 =	rddreg [dreg:$0x1];
	p0 =	sne.s32 s2, $0x0  }
0xa5: {  	s3 =	rddreg [dreg:$0x2];
	[bflag:$0x3] =	sbarrier.arrive $0xFFFF;
	s2 =	simm.s32 @!p0 $0x1C04  }
0xa6: {  	[timem:s3], [sflag:s2] =	dma.local @!p0 [hbm:s0], s1  }
0xa7: {  	s0 =	simm.s32 @!p0 $0x4  }
0xa8: {  	_ =	swait.ge @!p0 [sflag:s0], s1  }
0xa9: {  	s1 =	ssub.s32 @!p0 $0x0, s1;
	[sflag:s0] =	ssyncset.done @!p0 $0x0  }
0xaa: {  	[sflag:s0] =	ssyncadd.s32 @!p0 s1  }
0xab: {  	[bflag:$0x3] =	sbarrier.arrive $0xFFFF  }
0xac: {  	_ =	shalt  }

</sc_bundles>
